<compile_context>
chip_gen: v7x
topology: tpu7x:2x2x1
jax: 0.10.2.dev20260603
libtpu: 0.0.44.dev20260713+nightly
codegen_flags: <defaults>
</compile_context>

<pallas_src>
import functools

import jax
import jax.numpy as jnp
from jax import lax
from jax.experimental import pallas as pl
from jax.experimental.pallas import tpu as pltpu
from jax.experimental.pallas import tpu_sc as plsc

V = 100002
ROWS, COLS = 4096, 2048
N_TOKENS = ROWS * COLS
NC, NS, L = 2, 16, 16
NW = NC * NS
ROWS_W = ROWS // NW
CR, CC = 8, 1024
CHUNK = CR * CC
NCH = ROWS_W // CR * 2
G = 16
RCOLS = 25600
V_PAD = 102400

_mesh = plsc.VectorSubcoreMesh(core_axis_name="c", subcore_axis_name="s")


@functools.partial(
    pl.kernel,
    out_type=jax.ShapeDtypeStruct((NW, V_PAD // 128, 128), jnp.int32),
    mesh=_mesh,
    scratch_types=[
        pltpu.VMEM((CR, CC), jnp.int32),
        pltpu.VMEM((CR, CC), jnp.int32),
        pltpu.VMEM((CR, CC), jnp.int32),
        pltpu.VMEM((V_PAD // 128, 128), jnp.int32),
        pltpu.SemaphoreType.DMA,
        pltpu.SemaphoreType.DMA,
        pltpu.SemaphoreType.DMA,
    ],
    compiler_params=pltpu.CompilerParams(
        needs_layout_passes=False, use_tc_tiling_on_sc=True
    ),
)
def _hist_kernel(text_hbm, out_hbm, buf0, buf1, buf2, hist, sem0, sem1, sem2):
    wid = lax.axis_index("s") * NC + lax.axis_index("c")
    base_row = wid * ROWS_W
    bufs = (buf0, buf1, buf2)
    sems = (sem0, sem1, sem2)

    zeros = jnp.zeros((L,), jnp.int32)

    def zero_body(i, carry):
        hist[i // 8, pl.ds((i % 8) * L, L)] = zeros
        return carry

    lax.fori_loop(0, V_PAD // L, zero_body, 0, unroll=8)

    def chunk_copy(c, b):
        return pltpu.make_async_copy(
            text_hbm.at[
                pl.ds(base_row + (c // 2) * CR, CR), pl.ds((c % 2) * CC, CC)
            ],
            bufs[b],
            sems[b],
        )

    GROUPS_PER_IT = G * L
    ones = jnp.ones((L,), jnp.int32)

    def process(b):
        def proc(i, cc, _b=b):
            row = i // (CC // GROUPS_PER_IT)
            colbase = (i % (CC // GROUPS_PER_IT)) * GROUPS_PER_IT
            xs = [bufs[_b][row, pl.ds(colbase + j * L, L)] for j in range(G)]
            for x in xs:
                plsc.addupdate_scatter(
                    hist, [jnp.right_shift(x, 7), jnp.bitwise_and(x, 127)], ones
                )
            return cc

        lax.fori_loop(0, CHUNK // GROUPS_PER_IT, proc, 0)

    for b in range(3):
        chunk_copy(b, b).start()

    NB = NCH // 3

    def outer(g, carry):
        for b in range(3):
            c = 3 * g + b
            chunk_copy(c, b).wait()
            process(b)

            @pl.when(c + 3 < NCH)
            def _(_c=c, _b=b):
                chunk_copy(_c + 3, _b).start()

        return carry

    lax.fori_loop(0, NB, outer, 0)

    for b in range(NCH - 3 * NB):
        chunk_copy(3 * NB + b, b).wait()
        process(b)

    pltpu.sync_copy(hist, out_hbm.at[wid])


def _reduce_body(parts_ref, unary_ref, out_ref):
    s = jnp.sum(parts_ref[...], axis=0).astype(jnp.float32)
    out_ref[0] = unary_ref[0] + s


_reduce = pl.pallas_call(
    _reduce_body,
    grid=(V_PAD // RCOLS,),
    in_specs=[
        pl.BlockSpec((NW, RCOLS // 128, 128), lambda i: (0, i, 0)),
        pl.BlockSpec((1, RCOLS // 128, 128), lambda i: (i, 0, 0)),
    ],
    out_specs=pl.BlockSpec((1, RCOLS // 128, 128), lambda i: (i, 0, 0)),
    out_shape=jax.ShapeDtypeStruct(
        (V_PAD // RCOLS, RCOLS // 128, 128), jnp.float32
    ),
)


@jax.jit
def kernel(text, unary_counts):
    parts = _hist_kernel(text)
    unary_pad = jnp.pad(unary_counts, (0, V_PAD - V)).reshape(
        V_PAD // RCOLS, RCOLS // 128, 128
    )
    out = _reduce(parts, unary_pad)
    return out.reshape(-1)[:V]

# --- scband reference (transcript-rebuilt; emitter-appended) ---
"""Pipeline reference for scband-tri-gram-70050916598121 (READ-ONLY COPY).

The authoritative reference and input builder live on the scoring server;
editing this copy changes nothing except your own understanding.
"""

import jax, jax.numpy as jnp
import numpy as np

V = 100002  # max_size + 2

def setup_inputs(seed: int = 0) -> dict:
    key = jax.random.key(seed)
    text = jax.random.randint(key, (4096, 2048), 0, 100000, dtype=jnp.int32)
    # buffer initialized in __init__: self.unary_counts = torch.zeros(self.V)
    unary_counts = jnp.zeros((V,), dtype=jnp.float32)
    return {"text": text, "unary_counts": unary_counts}

def reference(text, unary_counts):
    # Faithful translation of train_predict: flatten text, count occurrences
    # of each token id (Counter), accumulate into unary_counts.
    flat = text.flatten()
    counts = jnp.bincount(flat, length=V).astype(unary_counts.dtype)
    return unary_counts + counts

if __name__ == "__main__":
    import jax
    _d = setup_inputs()
    print(jax.jit(kernel)(*tuple(_d.values())))

</pallas_src>

<mosaic_0001>
#map = affine_map<(d0, d1) -> (0, 0)>
#map1 = affine_map<(d0, d1) -> (0, 0, 0)>
module attributes {stable_mosaic.version = 14 : i64} {
  func.func @_hist_kernel(%arg0: i32, %arg1: i32, %arg2: memref<4096x2048xi32, #tpu.memory_space<hbm>>, %arg3: memref<32x800x128xi32, #tpu.memory_space<hbm>>, %arg4: memref<8x1024xi32, #tpu.memory_space<vmem>>, %arg5: memref<8x1024xi32, #tpu.memory_space<vmem>>, %arg6: memref<8x1024xi32, #tpu.memory_space<vmem>>, %arg7: memref<800x128xi32, #tpu.memory_space<vmem>>, %arg8: memref<!tpu.dma_semaphore, #tpu.memory_space<semaphore_mem>>, %arg9: memref<!tpu.dma_semaphore, #tpu.memory_space<semaphore_mem>>, %arg10: memref<!tpu.dma_semaphore, #tpu.memory_space<semaphore_mem>>) attributes {dimension_semantics = [#tpu.dimension_semantics<core_parallel>, #tpu.dimension_semantics<subcore_parallel>], iteration_bounds = array<i64: 2, 16>, scalar_prefetch = 0 : i64, scratch_operands = 7 : i64, tpu.core_type = #tpu.core_type<sc_vector_subcore>, window_params = [{transform_indices = #map}, {transform_indices = #map1}]} {
    %mul3A = arith.constant 2 : i32
    %mul3A_0 = arith.muli %arg1, %mul3A : i32
    %add3A = arith.addi %mul3A_0, %arg0 : i32
    %mul3A_1 = arith.constant 128 : i32
    %mul3A_2 = arith.muli %add3A, %mul3A_1 : i32
    %broadcast_in_dim3A = arith.constant 0 : i32
    %broadcast_in_dim3A_3 = vector.broadcast %broadcast_in_dim3A : i32 to vector<16xi32>
    %scan3A = arith.constant 0 : i32
    %scan3A_4 = arith.constant 0 : i32
    %scan3A_5 = arith.constant 6400 : i32
    %scan3A_6 = arith.addi %scan3A_4, %scan3A_5 : i32
    %scan3A_7 = arith.constant 8 : i32
    scf.for %scan3A_57 = %scan3A_4 to %scan3A_6 step %scan3A_7  : i32 {
      %jit3A = arith.constant 8 : i32
      %div3A = arith.divsi %scan3A_57, %jit3A : i32
      %sign3A = arith.constant 0 : i32
      %sign3A_58 = arith.cmpi sgt, %scan3A_57, %sign3A : i32
      %sign3A_59 = arith.extui %sign3A_58 : i1 to i32
      %sign3A_60 = arith.constant 0 : i32
      %sign3A_61 = arith.cmpi slt, %scan3A_57, %sign3A_60 : i32
      %sign3A_62 = arith.extui %sign3A_61 : i1 to i32
      %sign3A_63 = arith.subi %sign3A_59, %sign3A_62 : i32
      %sign3A_64 = arith.constant 0 : i32
      %sign3A_65 = arith.cmpi sgt, %jit3A, %sign3A_64 : i32
      %sign3A_66 = arith.extui %sign3A_65 : i1 to i32
      %sign3A_67 = arith.constant 0 : i32
      %sign3A_68 = arith.cmpi slt, %jit3A, %sign3A_67 : i32
      %sign3A_69 = arith.extui %sign3A_68 : i1 to i32
      %sign3A_70 = arith.subi %sign3A_66, %sign3A_69 : i32
      %ne3A = arith.cmpi ne, %sign3A_63, %sign3A_70 : i32
      %rem3A = arith.remsi %scan3A_57, %jit3A : i32
      %ne3A_71 = arith.constant 0 : i32
      %ne3A_72 = arith.cmpi ne, %rem3A, %ne3A_71 : i32
      %and3A = arith.andi %ne3A, %ne3A_72 : i1
      %sub3A = arith.constant 1 : i32
      %sub3A_73 = arith.subi %div3A, %sub3A : i32
      %select_n3A = arith.select %and3A, %sub3A_73, %div3A : i32
      %jit3A_74 = arith.constant 8 : i32
      %eq3A = arith.constant 0 : i32
      %eq3A_75 = arith.cmpi eq, %jit3A_74, %eq3A : i32
      %jit3A_76 = arith.constant 1 : i32
      %select_n3A_77 = arith.select %eq3A_75, %jit3A_76, %jit3A_74 : i32
      %rem3A_78 = arith.remsi %scan3A_57, %select_n3A_77 : i32
      %ne3A_79 = arith.constant 0 : i32
      %ne3A_80 = arith.cmpi ne, %rem3A_78, %ne3A_79 : i32
      %lt3A = arith.constant 0 : i32
      %lt3A_81 = arith.cmpi slt, %rem3A_78, %lt3A : i32
      %lt3A_82 = arith.constant 0 : i32
      %lt3A_83 = arith.cmpi slt, %select_n3A_77, %lt3A_82 : i32
      %ne3A_84 = arith.xori %lt3A_81, %lt3A_83 : i1
      %and3A_85 = arith.andi %ne3A_84, %ne3A_80 : i1
      %add3A_86 = arith.addi %rem3A_78, %select_n3A_77 : i32
      %select_n3A_87 = arith.select %and3A_85, %add3A_86, %rem3A_78 : i32
      %mul3A_88 = arith.constant 16 : i32
      %mul3A_89 = arith.muli %select_n3A_87, %mul3A_88 : i32
      %swap3A = arith.index_cast %select_n3A : i32 to index
      %swap3A_90 = arith.index_cast %mul3A_89 : i32 to index
      %swap3A_91 = tpu.vector_load %arg7[%swap3A, %swap3A_90] {strides = array<i32>} : memref<800x128xi32, #tpu.memory_space<vmem>>, vector<16xi32>,
      tpu.vector_store %arg7[%swap3A, %swap3A_90], %broadcast_in_dim3A_3 {strides = array<i32>} : memref<800x128xi32, #tpu.memory_space<vmem>>, vector<16xi32>,
      %scan3A_92 = arith.constant 1 : i32
      %scan3A_93 = arith.addi %scan3A_57, %scan3A_92 : i32
      %jit3A_94 = arith.constant 8 : i32
      %div3A_95 = arith.divsi %scan3A_93, %jit3A_94 : i32
      %sign3A_96 = arith.constant 0 : i32
      %sign3A_97 = arith.cmpi sgt, %scan3A_93, %sign3A_96 : i32
      %sign3A_98 = arith.extui %sign3A_97 : i1 to i32
      %sign3A_99 = arith.constant 0 : i32
      %sign3A_100 = arith.cmpi slt, %scan3A_93, %sign3A_99 : i32
      %sign3A_101 = arith.extui %sign3A_100 : i1 to i32
      %sign3A_102 = arith.subi %sign3A_98, %sign3A_101 : i32
      %sign3A_103 = arith.constant 0 : i32
      %sign3A_104 = arith.cmpi sgt, %jit3A_94, %sign3A_103 : i32
      %sign3A_105 = arith.extui %sign3A_104 : i1 to i32
      %sign3A_106 = arith.constant 0 : i32
      %sign3A_107 = arith.cmpi slt, %jit3A_94, %sign3A_106 : i32
      %sign3A_108 = arith.extui %sign3A_107 : i1 to i32
      %sign3A_109 = arith.subi %sign3A_105, %sign3A_108 : i32
      %ne3A_110 = arith.cmpi ne, %sign3A_102, %sign3A_109 : i32
      %rem3A_111 = arith.remsi %scan3A_93, %jit3A_94 : i32
      %ne3A_112 = arith.constant 0 : i32
      %ne3A_113 = arith.cmpi ne, %rem3A_111, %ne3A_112 : i32
      %and3A_114 = arith.andi %ne3A_110, %ne3A_113 : i1
      %sub3A_115 = arith.constant 1 : i32
      %sub3A_116 = arith.subi %div3A_95, %sub3A_115 : i32
      %select_n3A_117 = arith.select %and3A_114, %sub3A_116, %div3A_95 : i32
      %jit3A_118 = arith.constant 8 : i32
      %eq3A_119 = arith.constant 0 : i32
      %eq3A_120 = arith.cmpi eq, %jit3A_118, %eq3A_119 : i32
      %jit3A_121 = arith.constant 1 : i32
      %select_n3A_122 = arith.select %eq3A_120, %jit3A_121, %jit3A_118 : i32
      %rem3A_123 = arith.remsi %scan3A_93, %select_n3A_122 : i32
      %ne3A_124 = arith.constant 0 : i32
      %ne3A_125 = arith.cmpi ne, %rem3A_123, %ne3A_124 : i32
      %lt3A_126 = arith.constant 0 : i32
      %lt3A_127 = arith.cmpi slt, %rem3A_123, %lt3A_126 : i32
      %lt3A_128 = arith.constant 0 : i32
      %lt3A_129 = arith.cmpi slt, %select_n3A_122, %lt3A_128 : i32
      %ne3A_130 = arith.xori %lt3A_127, %lt3A_129 : i1
      %and3A_131 = arith.andi %ne3A_130, %ne3A_125 : i1
      %add3A_132 = arith.addi %rem3A_123, %select_n3A_122 : i32
      %select_n3A_133 = arith.select %and3A_131, %add3A_132, %rem3A_123 : i32
      %mul3A_134 = arith.constant 16 : i32
      %mul3A_135 = arith.muli %select_n3A_133, %mul3A_134 : i32
      %swap3A_136 = arith.index_cast %select_n3A_117 : i32 to index
      %swap3A_137 = arith.index_cast %mul3A_135 : i32 to index
      %swap3A_138 = tpu.vector_load %arg7[%swap3A_136, %swap3A_137] {strides = array<i32>} : memref<800x128xi32, #tpu.memory_space<vmem>>, vector<16xi32>,
      tpu.vector_store %arg7[%swap3A_136, %swap3A_137], %broadcast_in_dim3A_3 {strides = array<i32>} : memref<800x128xi32, #tpu.memory_space<vmem>>, vector<16xi32>,
      %scan3A_139 = arith.constant 2 : i32
      %scan3A_140 = arith.addi %scan3A_57, %scan3A_139 : i32
      %jit3A_141 = arith.constant 8 : i32
      %div3A_142 = arith.divsi %scan3A_140, %jit3A_141 : i32
      %sign3A_143 = arith.constant 0 : i32
      %sign3A_144 = arith.cmpi sgt, %scan3A_140, %sign3A_143 : i32
      %sign3A_145 = arith.extui %sign3A_144 : i1 to i32
      %sign3A_146 = arith.constant 0 : i32
      %sign3A_147 = arith.cmpi slt, %scan3A_140, %sign3A_146 : i32
      %sign3A_148 = arith.extui %sign3A_147 : i1 to i32
      %sign3A_149 = arith.subi %sign3A_145, %sign3A_148 : i32
      %sign3A_150 = arith.constant 0 : i32
      %sign3A_151 = arith.cmpi sgt, %jit3A_141, %sign3A_150 : i32
      %sign3A_152 = arith.extui %sign3A_151 : i1 to i32
      %sign3A_153 = arith.constant 0 : i32
      %sign3A_154 = arith.cmpi slt, %jit3A_141, %sign3A_153 : i32
      %sign3A_155 = arith.extui %sign3A_154 : i1 to i32
      %sign3A_156 = arith.subi %sign3A_152, %sign3A_155 : i32
      %ne3A_157 = arith.cmpi ne, %sign3A_149, %sign3A_156 : i32
      %rem3A_158 = arith.remsi %scan3A_140, %jit3A_141 : i32
      %ne3A_159 = arith.constant 0 : i32
      %ne3A_160 = arith.cmpi ne, %rem3A_158, %ne3A_159 : i32
      %and3A_161 = arith.andi %ne3A_157, %ne3A_160 : i1
      %sub3A_162 = arith.constant 1 : i32
      %sub3A_163 = arith.subi %div3A_142, %sub3A_162 : i32
      %select_n3A_164 = arith.select %and3A_161, %sub3A_163, %div3A_142 : i32
      %jit3A_165 = arith.constant 8 : i32
      %eq3A_166 = arith.constant 0 : i32
      %eq3A_167 = arith.cmpi eq, %jit3A_165, %eq3A_166 : i32
      %jit3A_168 = arith.constant 1 : i32
      %select_n3A_169 = arith.select %eq3A_167, %jit3A_168, %jit3A_165 : i32
      %rem3A_170 = arith.remsi %scan3A_140, %select_n3A_169 : i32
      %ne3A_171 = arith.constant 0 : i32
      %ne3A_172 = arith.cmpi ne, %rem3A_170, %ne3A_171 : i32
      %lt3A_173 = arith.constant 0 : i32
      %lt3A_174 = arith.cmpi slt, %rem3A_170, %lt3A_173 : i32
      %lt3A_175 = arith.constant 0 : i32
      %lt3A_176 = arith.cmpi slt, %select_n3A_169, %lt3A_175 : i32
      %ne3A_177 = arith.xori %lt3A_174, %lt3A_176 : i1
      %and3A_178 = arith.andi %ne3A_177, %ne3A_172 : i1
      %add3A_179 = arith.addi %rem3A_170, %select_n3A_169 : i32
      %select_n3A_180 = arith.select %and3A_178, %add3A_179, %rem3A_170 : i32
      %mul3A_181 = arith.constant 16 : i32
      %mul3A_182 = arith.muli %select_n3A_180, %mul3A_181 : i32
      %swap3A_183 = arith.index_cast %select_n3A_164 : i32 to index
      %swap3A_184 = arith.index_cast %mul3A_182 : i32 to index
      %swap3A_185 = tpu.vector_load %arg7[%swap3A_183, %swap3A_184] {strides = array<i32>} : memref<800x128xi32, #tpu.memory_space<vmem>>, vector<16xi32>,
      tpu.vector_store %arg7[%swap3A_183, %swap3A_184], %broadcast_in_dim3A_3 {strides = array<i32>} : memref<800x128xi32, #tpu.memory_space<vmem>>, vector<16xi32>,
      %scan3A_186 = arith.constant 3 : i32
      %scan3A_187 = arith.addi %scan3A_57, %scan3A_186 : i32
      %jit3A_188 = arith.constant 8 : i32
      %div3A_189 = arith.divsi %scan3A_187, %jit3A_188 : i32
      %sign3A_190 = arith.constant 0 : i32
      %sign3A_191 = arith.cmpi sgt, %scan3A_187, %sign3A_190 : i32
      %sign3A_192 = arith.extui %sign3A_191 : i1 to i32
      %sign3A_193 = arith.constant 0 : i32
      %sign3A_194 = arith.cmpi slt, %scan3A_187, %sign3A_193 : i32
      %sign3A_195 = arith.extui %sign3A_194 : i1 to i32
      %sign3A_196 = arith.subi %sign3A_192, %sign3A_195 : i32
      %sign3A_197 = arith.constant 0 : i32
      %sign3A_198 = arith.cmpi sgt, %jit3A_188, %sign3A_197 : i32
      %sign3A_199 = arith.extui %sign3A_198 : i1 to i32
      %sign3A_200 = arith.constant 0 : i32
      %sign3A_201 = arith.cmpi slt, %jit3A_188, %sign3A_200 : i32
      %sign3A_202 = arith.extui %sign3A_201 : i1 to i32
      %sign3A_203 = arith.subi %sign3A_199, %sign3A_202 : i32
      %ne3A_204 = arith.cmpi ne, %sign3A_196, %sign3A_203 : i32
      %rem3A_205 = arith.remsi %scan3A_187, %jit3A_188 : i32
      %ne3A_206 = arith.constant 0 : i32
      %ne3A_207 = arith.cmpi ne, %rem3A_205, %ne3A_206 : i32
      %and3A_208 = arith.andi %ne3A_204, %ne3A_207 : i1
      %sub3A_209 = arith.constant 1 : i32
      %sub3A_210 = arith.subi %div3A_189, %sub3A_209 : i32
      %select_n3A_211 = arith.select %and3A_208, %sub3A_210, %div3A_189 : i32
      %jit3A_212 = arith.constant 8 : i32
      %eq3A_213 = arith.constant 0 : i32
      %eq3A_214 = arith.cmpi eq, %jit3A_212, %eq3A_213 : i32
      %jit3A_215 = arith.constant 1 : i32
      %select_n3A_216 = arith.select %eq3A_214, %jit3A_215, %jit3A_212 : i32
      %rem3A_217 = arith.remsi %scan3A_187, %select_n3A_216 : i32
      %ne3A_218 = arith.constant 0 : i32
      %ne3A_219 = arith.cmpi ne, %rem3A_217, %ne3A_218 : i32
      %lt3A_220 = arith.constant 0 : i32
      %lt3A_221 = arith.cmpi slt, %rem3A_217, %lt3A_220 : i32
      %lt3A_222 = arith.constant 0 : i32
      %lt3A_223 = arith.cmpi slt, %select_n3A_216, %lt3A_222 : i32
      %ne3A_224 = arith.xori %lt3A_221, %lt3A_223 : i1
      %and3A_225 = arith.andi %ne3A_224, %ne3A_219 : i1
      %add3A_226 = arith.addi %rem3A_217, %select_n3A_216 : i32
      %select_n3A_227 = arith.select %and3A_225, %add3A_226, %rem3A_217 : i32
      %mul3A_228 = arith.constant 16 : i32
      %mul3A_229 = arith.muli %select_n3A_227, %mul3A_228 : i32
      %swap3A_230 = arith.index_cast %select_n3A_211 : i32 to index
      %swap3A_231 = arith.index_cast %mul3A_229 : i32 to index
      %swap3A_232 = tpu.vector_load %arg7[%swap3A_230, %swap3A_231] {strides = array<i32>} : memref<800x128xi32, #tpu.memory_space<vmem>>, vector<16xi32>,
      tpu.vector_store %arg7[%swap3A_230, %swap3A_231], %broadcast_in_dim3A_3 {strides = array<i32>} : memref<800x128xi32, #tpu.memory_space<vmem>>, vector<16xi32>,
      %scan3A_233 = arith.constant 4 : i32
      %scan3A_234 = arith.addi %scan3A_57, %scan3A_233 : i32
      %jit3A_235 = arith.constant 8 : i32
      %div3A_236 = arith.divsi %scan3A_234, %jit3A_235 : i32
      %sign3A_237 = arith.constant 0 : i32
      %sign3A_238 = arith.cmpi sgt, %scan3A_234, %sign3A_237 : i32
      %sign3A_239 = arith.extui %sign3A_238 : i1 to i32
      %sign3A_240 = arith.constant 0 : i32
      %sign3A_241 = arith.cmpi slt, %scan3A_234, %sign3A_240 : i32
      %sign3A_242 = arith.extui %sign3A_241 : i1 to i32
      %sign3A_243 = arith.subi %sign3A_239, %sign3A_242 : i32
      %sign3A_244 = arith.constant 0 : i32
      %sign3A_245 = arith.cmpi sgt, %jit3A_235, %sign3A_244 : i32
      %sign3A_246 = arith.extui %sign3A_245 : i1 to i32
      %sign3A_247 = arith.constant 0 : i32
      %sign3A_248 = arith.cmpi slt, %jit3A_235, %sign3A_247 : i32
      %sign3A_249 = arith.extui %sign3A_248 : i1 to i32
      %sign3A_250 = arith.subi %sign3A_246, %sign3A_249 : i32
      %ne3A_251 = arith.cmpi ne, %sign3A_243, %sign3A_250 : i32
      %rem3A_252 = arith.remsi %scan3A_234, %jit3A_235 : i32
      %ne3A_253 = arith.constant 0 : i32
      %ne3A_254 = arith.cmpi ne, %rem3A_252, %ne3A_253 : i32
      %and3A_255 = arith.andi %ne3A_251, %ne3A_254 : i1
      %sub3A_256 = arith.constant 1 : i32
      %sub3A_257 = arith.subi %div3A_236, %sub3A_256 : i32
      %select_n3A_258 = arith.select %and3A_255, %sub3A_257, %div3A_236 : i32
      %jit3A_259 = arith.constant 8 : i32
      %eq3A_260 = arith.constant 0 : i32
      %eq3A_261 = arith.cmpi eq, %jit3A_259, %eq3A_260 : i32
      %jit3A_262 = arith.constant 1 : i32
      %select_n3A_263 = arith.select %eq3A_261, %jit3A_262, %jit3A_259 : i32
      %rem3A_264 = arith.remsi %scan3A_234, %select_n3A_263 : i32
      %ne3A_265 = arith.constant 0 : i32
      %ne3A_266 = arith.cmpi ne, %rem3A_264, %ne3A_265 : i32
      %lt3A_267 = arith.constant 0 : i32
      %lt3A_268 = arith.cmpi slt, %rem3A_264, %lt3A_267 : i32
      %lt3A_269 = arith.constant 0 : i32
      %lt3A_270 = arith.cmpi slt, %select_n3A_263, %lt3A_269 : i32
      %ne3A_271 = arith.xori %lt3A_268, %lt3A_270 : i1
      %and3A_272 = arith.andi %ne3A_271, %ne3A_266 : i1
      %add3A_273 = arith.addi %rem3A_264, %select_n3A_263 : i32
      %select_n3A_274 = arith.select %and3A_272, %add3A_273, %rem3A_264 : i32
      %mul3A_275 = arith.constant 16 : i32
      %mul3A_276 = arith.muli %select_n3A_274, %mul3A_275 : i32
      %swap3A_277 = arith.index_cast %select_n3A_258 : i32 to index
      %swap3A_278 = arith.index_cast %mul3A_276 : i32 to index
      %swap3A_279 = tpu.vector_load %arg7[%swap3A_277, %swap3A_278] {strides = array<i32>} : memref<800x128xi32, #tpu.memory_space<vmem>>, vector<16xi32>,
      tpu.vector_store %arg7[%swap3A_277, %swap3A_278], %broadcast_in_dim3A_3 {strides = array<i32>} : memref<800x128xi32, #tpu.memory_space<vmem>>, vector<16xi32>,
      %scan3A_280 = arith.constant 5 : i32
      %scan3A_281 = arith.addi %scan3A_57, %scan3A_280 : i32
      %jit3A_282 = arith.constant 8 : i32
      %div3A_283 = arith.divsi %scan3A_281, %jit3A_282 : i32
      %sign3A_284 = arith.constant 0 : i32
      %sign3A_285 = arith.cmpi sgt, %scan3A_281, %sign3A_284 : i32
      %sign3A_286 = arith.extui %sign3A_285 : i1 to i32
      %sign3A_287 = arith.constant 0 : i32
      %sign3A_288 = arith.cmpi slt, %scan3A_281, %sign3A_287 : i32
      %sign3A_289 = arith.extui %sign3A_288 : i1 to i32
      %sign3A_290 = arith.subi %sign3A_286, %sign3A_289 : i32
      %sign3A_291 = arith.constant 0 : i32
      %sign3A_292 = arith.cmpi sgt, %jit3A_282, %sign3A_291 : i32
      %sign3A_293 = arith.extui %sign3A_292 : i1 to i32
      %sign3A_294 = arith.constant 0 : i32
      %sign3A_295 = arith.cmpi slt, %jit3A_282, %sign3A_294 : i32
      %sign3A_296 = arith.extui %sign3A_295 : i1 to i32
      %sign3A_297 = arith.subi %sign3A_293, %sign3A_296 : i32
      %ne3A_298 = arith.cmpi ne, %sign3A_290, %sign3A_297 : i32
      %rem3A_299 = arith.remsi %scan3A_281, %jit3A_282 : i32
      %ne3A_300 = arith.constant 0 : i32
      %ne3A_301 = arith.cmpi ne, %rem3A_299, %ne3A_300 : i32
      %and3A_302 = arith.andi %ne3A_298, %ne3A_301 : i1
      %sub3A_303 = arith.constant 1 : i32
      %sub3A_304 = arith.subi %div3A_283, %sub3A_303 : i32
      %select_n3A_305 = arith.select %and3A_302, %sub3A_304, %div3A_283 : i32
      %jit3A_306 = arith.constant 8 : i32
      %eq3A_307 = arith.constant 0 : i32
      %eq3A_308 = arith.cmpi eq, %jit3A_306, %eq3A_307 : i32
      %jit3A_309 = arith.constant 1 : i32
      %select_n3A_310 = arith.select %eq3A_308, %jit3A_309, %jit3A_306 : i32
      %rem3A_311 = arith.remsi %scan3A_281, %select_n3A_310 : i32
      %ne3A_312 = arith.constant 0 : i32
      %ne3A_313 = arith.cmpi ne, %rem3A_311, %ne3A_312 : i32
      %lt3A_314 = arith.constant 0 : i32
      %lt3A_315 = arith.cmpi slt, %rem3A_311, %lt3A_314 : i32
      %lt3A_316 = arith.constant 0 : i32
      %lt3A_317 = arith.cmpi slt, %select_n3A_310, %lt3A_316 : i32
      %ne3A_318 = arith.xori %lt3A_315, %lt3A_317 : i1
      %and3A_319 = arith.andi %ne3A_318, %ne3A_313 : i1
      %add3A_320 = arith.addi %rem3A_311, %select_n3A_310 : i32
      %select_n3A_321 = arith.select %and3A_319, %add3A_320, %rem3A_311 : i32
      %mul3A_322 = arith.constant 16 : i32
      %mul3A_323 = arith.muli %select_n3A_321, %mul3A_322 : i32
      %swap3A_324 = arith.index_cast %select_n3A_305 : i32 to index
      %swap3A_325 = arith.index_cast %mul3A_323 : i32 to index
      %swap3A_326 = tpu.vector_load %arg7[%swap3A_324, %swap3A_325] {strides = array<i32>} : memref<800x128xi32, #tpu.memory_space<vmem>>, vector<16xi32>,
      tpu.vector_store %arg7[%swap3A_324, %swap3A_325], %broadcast_in_dim3A_3 {strides = array<i32>} : memref<800x128xi32, #tpu.memory_space<vmem>>, vector<16xi32>,
      %scan3A_327 = arith.constant 6 : i32
      %scan3A_328 = arith.addi %scan3A_57, %scan3A_327 : i32
      %jit3A_329 = arith.constant 8 : i32
      %div3A_330 = arith.divsi %scan3A_328, %jit3A_329 : i32
      %sign3A_331 = arith.constant 0 : i32
      %sign3A_332 = arith.cmpi sgt, %scan3A_328, %sign3A_331 : i32
      %sign3A_333 = arith.extui %sign3A_332 : i1 to i32
      %sign3A_334 = arith.constant 0 : i32
      %sign3A_335 = arith.cmpi slt, %scan3A_328, %sign3A_334 : i32
      %sign3A_336 = arith.extui %sign3A_335 : i1 to i32
      %sign3A_337 = arith.subi %sign3A_333, %sign3A_336 : i32
      %sign3A_338 = arith.constant 0 : i32
      %sign3A_339 = arith.cmpi sgt, %jit3A_329, %sign3A_338 : i32
      %sign3A_340 = arith.extui %sign3A_339 : i1 to i32
      %sign3A_341 = arith.constant 0 : i32
      %sign3A_342 = arith.cmpi slt, %jit3A_329, %sign3A_341 : i32
      %sign3A_343 = arith.extui %sign3A_342 : i1 to i32
      %sign3A_344 = arith.subi %sign3A_340, %sign3A_343 : i32
      %ne3A_345 = arith.cmpi ne, %sign3A_337, %sign3A_344 : i32
      %rem3A_346 = arith.remsi %scan3A_328, %jit3A_329 : i32
      %ne3A_347 = arith.constant 0 : i32
      %ne3A_348 = arith.cmpi ne, %rem3A_346, %ne3A_347 : i32
      %and3A_349 = arith.andi %ne3A_345, %ne3A_348 : i1
      %sub3A_350 = arith.constant 1 : i32
      %sub3A_351 = arith.subi %div3A_330, %sub3A_350 : i32
      %select_n3A_352 = arith.select %and3A_349, %sub3A_351, %div3A_330 : i32
      %jit3A_353 = arith.constant 8 : i32
      %eq3A_354 = arith.constant 0 : i32
      %eq3A_355 = arith.cmpi eq, %jit3A_353, %eq3A_354 : i32
      %jit3A_356 = arith.constant 1 : i32
      %select_n3A_357 = arith.select %eq3A_355, %jit3A_356, %jit3A_353 : i32
      %rem3A_358 = arith.remsi %scan3A_328, %select_n3A_357 : i32
      %ne3A_359 = arith.constant 0 : i32
      %ne3A_360 = arith.cmpi ne, %rem3A_358, %ne3A_359 : i32
      %lt3A_361 = arith.constant 0 : i32
      %lt3A_362 = arith.cmpi slt, %rem3A_358, %lt3A_361 : i32
      %lt3A_363 = arith.constant 0 : i32
      %lt3A_364 = arith.cmpi slt, %select_n3A_357, %lt3A_363 : i32
      %ne3A_365 = arith.xori %lt3A_362, %lt3A_364 : i1
      %and3A_366 = arith.andi %ne3A_365, %ne3A_360 : i1
      %add3A_367 = arith.addi %rem3A_358, %select_n3A_357 : i32
      %select_n3A_368 = arith.select %and3A_366, %add3A_367, %rem3A_358 : i32
      %mul3A_369 = arith.constant 16 : i32
      %mul3A_370 = arith.muli %select_n3A_368, %mul3A_369 : i32
      %swap3A_371 = arith.index_cast %select_n3A_352 : i32 to index
      %swap3A_372 = arith.index_cast %mul3A_370 : i32 to index
      %swap3A_373 = tpu.vector_load %arg7[%swap3A_371, %swap3A_372] {strides = array<i32>} : memref<800x128xi32, #tpu.memory_space<vmem>>, vector<16xi32>,
      tpu.vector_store %arg7[%swap3A_371, %swap3A_372], %broadcast_in_dim3A_3 {strides = array<i32>} : memref<800x128xi32, #tpu.memory_space<vmem>>, vector<16xi32>,
      %scan3A_374 = arith.constant 7 : i32
      %scan3A_375 = arith.addi %scan3A_57, %scan3A_374 : i32
      %jit3A_376 = arith.constant 8 : i32
      %div3A_377 = arith.divsi %scan3A_375, %jit3A_376 : i32
      %sign3A_378 = arith.constant 0 : i32
      %sign3A_379 = arith.cmpi sgt, %scan3A_375, %sign3A_378 : i32
      %sign3A_380 = arith.extui %sign3A_379 : i1 to i32
      %sign3A_381 = arith.constant 0 : i32
      %sign3A_382 = arith.cmpi slt, %scan3A_375, %sign3A_381 : i32
      %sign3A_383 = arith.extui %sign3A_382 : i1 to i32
      %sign3A_384 = arith.subi %sign3A_380, %sign3A_383 : i32
      %sign3A_385 = arith.constant 0 : i32
      %sign3A_386 = arith.cmpi sgt, %jit3A_376, %sign3A_385 : i32
      %sign3A_387 = arith.extui %sign3A_386 : i1 to i32
      %sign3A_388 = arith.constant 0 : i32
      %sign3A_389 = arith.cmpi slt, %jit3A_376, %sign3A_388 : i32
      %sign3A_390 = arith.extui %sign3A_389 : i1 to i32
      %sign3A_391 = arith.subi %sign3A_387, %sign3A_390 : i32
      %ne3A_392 = arith.cmpi ne, %sign3A_384, %sign3A_391 : i32
      %rem3A_393 = arith.remsi %scan3A_375, %jit3A_376 : i32
      %ne3A_394 = arith.constant 0 : i32
      %ne3A_395 = arith.cmpi ne, %rem3A_393, %ne3A_394 : i32
      %and3A_396 = arith.andi %ne3A_392, %ne3A_395 : i1
      %sub3A_397 = arith.constant 1 : i32
      %sub3A_398 = arith.subi %div3A_377, %sub3A_397 : i32
      %select_n3A_399 = arith.select %and3A_396, %sub3A_398, %div3A_377 : i32
      %jit3A_400 = arith.constant 8 : i32
      %eq3A_401 = arith.constant 0 : i32
      %eq3A_402 = arith.cmpi eq, %jit3A_400, %eq3A_401 : i32
      %jit3A_403 = arith.constant 1 : i32
      %select_n3A_404 = arith.select %eq3A_402, %jit3A_403, %jit3A_400 : i32
      %rem3A_405 = arith.remsi %scan3A_375, %select_n3A_404 : i32
      %ne3A_406 = arith.constant 0 : i32
      %ne3A_407 = arith.cmpi ne, %rem3A_405, %ne3A_406 : i32
      %lt3A_408 = arith.constant 0 : i32
      %lt3A_409 = arith.cmpi slt, %rem3A_405, %lt3A_408 : i32
      %lt3A_410 = arith.constant 0 : i32
      %lt3A_411 = arith.cmpi slt, %select_n3A_404, %lt3A_410 : i32
      %ne3A_412 = arith.xori %lt3A_409, %lt3A_411 : i1
      %and3A_413 = arith.andi %ne3A_412, %ne3A_407 : i1
      %add3A_414 = arith.addi %rem3A_405, %select_n3A_404 : i32
      %select_n3A_415 = arith.select %and3A_413, %add3A_414, %rem3A_405 : i32
      %mul3A_416 = arith.constant 16 : i32
      %mul3A_417 = arith.muli %select_n3A_415, %mul3A_416 : i32
      %swap3A_418 = arith.index_cast %select_n3A_399 : i32 to index
      %swap3A_419 = arith.index_cast %mul3A_417 : i32 to index
      %swap3A_420 = tpu.vector_load %arg7[%swap3A_418, %swap3A_419] {strides = array<i32>} : memref<800x128xi32, #tpu.memory_space<vmem>>, vector<16xi32>,
      tpu.vector_store %arg7[%swap3A_418, %swap3A_419], %broadcast_in_dim3A_3 {strides = array<i32>} : memref<800x128xi32, #tpu.memory_space<vmem>>, vector<16xi32>,
    }
    %scan3A_8 = arith.constant 6400 : i32
    %broadcast_in_dim3A_9 = arith.constant 1 : i32
    %broadcast_in_dim3A_10 = vector.broadcast %broadcast_in_dim3A_9 : i32 to vector<16xi32>
    %add3A_11 = arith.constant 0 : i32
    %add3A_12 = arith.addi %mul3A_2, %add3A_11 : i32
    %dma_start3A = arith.constant 0 : i32
    %dma_start3A_13 = tpu.memref_slice %arg2[%add3A_12, %dma_start3A] : memref<4096x2048xi32, #tpu.memory_space<hbm>> -> memref<8x1024xi32, #tpu.memory_space<hbm>>
    %dma_start3A_14 = arith.constant 0 : i32
    %dma_start3A_15 = tpu.memref_slice %arg2[%add3A_12, %dma_start3A_14] : memref<4096x2048xi32, #tpu.memory_space<hbm>> -> memref<8x1024xi32, #tpu.memory_space<hbm>>
    tpu.enqueue_dma source(%dma_start3A_15 : memref<8x1024xi32, #tpu.memory_space<hbm>>) target(%arg4 : memref<8x1024xi32, #tpu.memory_space<vmem>>) target_semaphore(%arg8 : memref<!tpu.dma_semaphore, #tpu.memory_space<semaphore_mem>>)
    %add3A_16 = arith.constant 0 : i32
    %add3A_17 = arith.addi %mul3A_2, %add3A_16 : i32
    %dma_start3A_18 = arith.constant 1024 : i32
    %dma_start3A_19 = tpu.memref_slice %arg2[%add3A_17, %dma_start3A_18] : memref<4096x2048xi32, #tpu.memory_space<hbm>> -> memref<8x1024xi32, #tpu.memory_space<hbm>>
    %dma_start3A_20 = arith.constant 1024 : i32
    %dma_start3A_21 = tpu.memref_slice %arg2[%add3A_17, %dma_start3A_20] : memref<4096x2048xi32, #tpu.memory_space<hbm>> -> memref<8x1024xi32, #tpu.memory_space<hbm>>
    tpu.enqueue_dma source(%dma_start3A_21 : memref<8x1024xi32, #tpu.memory_space<hbm>>) target(%arg5 : memref<8x1024xi32, #tpu.memory_space<vmem>>) target_semaphore(%arg9 : memref<!tpu.dma_semaphore, #tpu.memory_space<semaphore_mem>>)
    %add3A_22 = arith.constant 8 : i32
    %add3A_23 = arith.addi %mul3A_2, %add3A_22 : i32
    %dma_start3A_24 = arith.constant 0 : i32
    %dma_start3A_25 = tpu.memref_slice %arg2[%add3A_23, %dma_start3A_24] : memref<4096x2048xi32, #tpu.memory_space<hbm>> -> memref<8x1024xi32, #tpu.memory_space<hbm>>
    %dma_start3A_26 = arith.constant 0 : i32
    %dma_start3A_27 = tpu.memref_slice %arg2[%add3A_23, %dma_start3A_26] : memref<4096x2048xi32, #tpu.memory_space<hbm>> -> memref<8x1024xi32, #tpu.memory_space<hbm>>
    tpu.enqueue_dma source(%dma_start3A_27 : memref<8x1024xi32, #tpu.memory_space<hbm>>) target(%arg6 : memref<8x1024xi32, #tpu.memory_space<vmem>>) target_semaphore(%arg10 : memref<!tpu.dma_semaphore, #tpu.memory_space<semaphore_mem>>)
    %scan3A_28 = arith.constant 0 : i32
    %scan3A_29 = arith.constant 0 : i32
    %scan3A_30 = arith.constant 10 : i32
    %scan3A_31 = arith.addi %scan3A_29, %scan3A_30 : i32
    %scan3A_32 = arith.constant 1 : i32
    scf.for %scan3A_57 = %scan3A_29 to %scan3A_31 step %scan3A_32  : i32 {
      %mul3A_58 = arith.constant 3 : i32
      %mul3A_59 = arith.muli %mul3A_58, %scan3A_57 : i32
      %add3A_60 = arith.constant 0 : i32
      %add3A_61 = arith.addi %mul3A_59, %add3A_60 : i32
      %jit3A = arith.constant 2 : i32
      %div3A = arith.divsi %add3A_61, %jit3A : i32
      %sign3A = arith.constant 0 : i32
      %sign3A_62 = arith.cmpi sgt, %add3A_61, %sign3A : i32
      %sign3A_63 = arith.extui %sign3A_62 : i1 to i32
      %sign3A_64 = arith.constant 0 : i32
      %sign3A_65 = arith.cmpi slt, %add3A_61, %sign3A_64 : i32
      %sign3A_66 = arith.extui %sign3A_65 : i1 to i32
      %sign3A_67 = arith.subi %sign3A_63, %sign3A_66 : i32
      %sign3A_68 = arith.constant 0 : i32
      %sign3A_69 = arith.cmpi sgt, %jit3A, %sign3A_68 : i32
      %sign3A_70 = arith.extui %sign3A_69 : i1 to i32
      %sign3A_71 = arith.constant 0 : i32
      %sign3A_72 = arith.cmpi slt, %jit3A, %sign3A_71 : i32
      %sign3A_73 = arith.extui %sign3A_72 : i1 to i32
      %sign3A_74 = arith.subi %sign3A_70, %sign3A_73 : i32
      %ne3A = arith.cmpi ne, %sign3A_67, %sign3A_74 : i32
      %rem3A = arith.remsi %add3A_61, %jit3A : i32
      %ne3A_75 = arith.constant 0 : i32
      %ne3A_76 = arith.cmpi ne, %rem3A, %ne3A_75 : i32
      %and3A = arith.andi %ne3A, %ne3A_76 : i1
      %sub3A = arith.constant 1 : i32
      %sub3A_77 = arith.subi %div3A, %sub3A : i32
      %select_n3A = arith.select %and3A, %sub3A_77, %div3A : i32
      %mul3A_78 = arith.constant 8 : i32
      %mul3A_79 = arith.muli %select_n3A, %mul3A_78 : i32
      %add3A_80 = arith.addi %mul3A_2, %mul3A_79 : i32
      %jit3A_81 = arith.constant 2 : i32
      %eq3A = arith.constant 0 : i32
      %eq3A_82 = arith.cmpi eq, %jit3A_81, %eq3A : i32
      %jit3A_83 = arith.constant 1 : i32
      %select_n3A_84 = arith.select %eq3A_82, %jit3A_83, %jit3A_81 : i32
      %rem3A_85 = arith.remsi %add3A_61, %select_n3A_84 : i32
      %ne3A_86 = arith.constant 0 : i32
      %ne3A_87 = arith.cmpi ne, %rem3A_85, %ne3A_86 : i32
      %lt3A = arith.constant 0 : i32
      %lt3A_88 = arith.cmpi slt, %rem3A_85, %lt3A : i32
      %lt3A_89 = arith.constant 0 : i32
      %lt3A_90 = arith.cmpi slt, %select_n3A_84, %lt3A_89 : i32
      %ne3A_91 = arith.xori %lt3A_88, %lt3A_90 : i1
      %and3A_92 = arith.andi %ne3A_91, %ne3A_87 : i1
      %add3A_93 = arith.addi %rem3A_85, %select_n3A_84 : i32
      %select_n3A_94 = arith.select %and3A_92, %add3A_93, %rem3A_85 : i32
      %mul3A_95 = arith.constant 1024 : i32
      %mul3A_96 = arith.muli %select_n3A_94, %mul3A_95 : i32
      %dma_wait3A_97 = tpu.memref_slice %arg2[%add3A_80, %mul3A_96] : memref<4096x2048xi32, #tpu.memory_space<hbm>> -> memref<8x1024xi32, #tpu.memory_space<hbm>>
      %dma_wait3A_98 = tpu.memref_slice %arg2[%add3A_80, %mul3A_96] : memref<4096x2048xi32, #tpu.memory_space<hbm>> -> memref<8x1024xi32, #tpu.memory_space<hbm>>
      tpu.wait_dma2 semaphore(%arg8 : memref<!tpu.dma_semaphore, #tpu.memory_space<semaphore_mem>>) src(%dma_wait3A_98 : memref<8x1024xi32, #tpu.memory_space<hbm>>) dst(%arg4 : memref<8x1024xi32, #tpu.memory_space<vmem>>)
      %scan3A_99 = arith.constant 0 : i32
      %scan3A_100 = arith.constant 0 : i32
      %scan3A_101 = arith.constant 32 : i32
      %scan3A_102 = arith.addi %scan3A_100, %scan3A_101 : i32
      %scan3A_103 = arith.constant 1 : i32
      scf.for %scan3A_238 = %scan3A_100 to %scan3A_102 step %scan3A_103  : i32 {
        %jit3A_239 = arith.constant 4 : i32
        %div3A_240 = arith.divsi %scan3A_238, %jit3A_239 : i32
        %sign3A_241 = arith.constant 0 : i32
        %sign3A_242 = arith.cmpi sgt, %scan3A_238, %sign3A_241 : i32
        %sign3A_243 = arith.extui %sign3A_242 : i1 to i32
        %sign3A_244 = arith.constant 0 : i32
        %sign3A_245 = arith.cmpi slt, %scan3A_238, %sign3A_244 : i32
        %sign3A_246 = arith.extui %sign3A_245 : i1 to i32
        %sign3A_247 = arith.subi %sign3A_243, %sign3A_246 : i32
        %sign3A_248 = arith.constant 0 : i32
        %sign3A_249 = arith.cmpi sgt, %jit3A_239, %sign3A_248 : i32
        %sign3A_250 = arith.extui %sign3A_249 : i1 to i32
        %sign3A_251 = arith.constant 0 : i32
        %sign3A_252 = arith.cmpi slt, %jit3A_239, %sign3A_251 : i32
        %sign3A_253 = arith.extui %sign3A_252 : i1 to i32
        %sign3A_254 = arith.subi %sign3A_250, %sign3A_253 : i32
        %ne3A_255 = arith.cmpi ne, %sign3A_247, %sign3A_254 : i32
        %rem3A_256 = arith.remsi %scan3A_238, %jit3A_239 : i32
        %ne3A_257 = arith.constant 0 : i32
        %ne3A_258 = arith.cmpi ne, %rem3A_256, %ne3A_257 : i32
        %and3A_259 = arith.andi %ne3A_255, %ne3A_258 : i1
        %sub3A_260 = arith.constant 1 : i32
        %sub3A_261 = arith.subi %div3A_240, %sub3A_260 : i32
        %select_n3A_262 = arith.select %and3A_259, %sub3A_261, %div3A_240 : i32
        %jit3A_263 = arith.constant 4 : i32
        %eq3A_264 = arith.constant 0 : i32
        %eq3A_265 = arith.cmpi eq, %jit3A_263, %eq3A_264 : i32
        %jit3A_266 = arith.constant 1 : i32
        %select_n3A_267 = arith.select %eq3A_265, %jit3A_266, %jit3A_263 : i32
        %rem3A_268 = arith.remsi %scan3A_238, %select_n3A_267 : i32
        %ne3A_269 = arith.constant 0 : i32
        %ne3A_270 = arith.cmpi ne, %rem3A_268, %ne3A_269 : i32
        %lt3A_271 = arith.constant 0 : i32
        %lt3A_272 = arith.cmpi slt, %rem3A_268, %lt3A_271 : i32
        %lt3A_273 = arith.constant 0 : i32
        %lt3A_274 = arith.cmpi slt, %select_n3A_267, %lt3A_273 : i32
        %ne3A_275 = arith.xori %lt3A_272, %lt3A_274 : i1
        %and3A_276 = arith.andi %ne3A_275, %ne3A_270 : i1
        %add3A_277 = arith.addi %rem3A_268, %select_n3A_267 : i32
        %select_n3A_278 = arith.select %and3A_276, %add3A_277, %rem3A_268 : i32
        %mul3A_279 = arith.constant 256 : i32
        %mul3A_280 = arith.muli %select_n3A_278, %mul3A_279 : i32
        %add3A_281 = arith.constant 0 : i32
        %add3A_282 = arith.addi %mul3A_280, %add3A_281 : i32
        %get3A = arith.index_cast %select_n3A_262 : i32 to index
        %get3A_283 = arith.index_cast %add3A_282 : i32 to index
        %get3A_284 = tpu.vector_load %arg4[%get3A, %get3A_283] {strides = array<i32>} : memref<8x1024xi32, #tpu.memory_space<vmem>>, vector<16xi32>,
        %add3A_285 = arith.constant 16 : i32
        %add3A_286 = arith.addi %mul3A_280, %add3A_285 : i32
        %get3A_287 = arith.index_cast %select_n3A_262 : i32 to index
        %get3A_288 = arith.index_cast %add3A_286 : i32 to index
        %get3A_289 = tpu.vector_load %arg4[%get3A_287, %get3A_288] {strides = array<i32>} : memref<8x1024xi32, #tpu.memory_space<vmem>>, vector<16xi32>,
        %add3A_290 = arith.constant 32 : i32
        %add3A_291 = arith.addi %mul3A_280, %add3A_290 : i32
        %get3A_292 = arith.index_cast %select_n3A_262 : i32 to index
        %get3A_293 = arith.index_cast %add3A_291 : i32 to index
        %get3A_294 = tpu.vector_load %arg4[%get3A_292, %get3A_293] {strides = array<i32>} : memref<8x1024xi32, #tpu.memory_space<vmem>>, vector<16xi32>,
        %add3A_295 = arith.constant 48 : i32
        %add3A_296 = arith.addi %mul3A_280, %add3A_295 : i32
        %get3A_297 = arith.index_cast %select_n3A_262 : i32 to index
        %get3A_298 = arith.index_cast %add3A_296 : i32 to index
        %get3A_299 = tpu.vector_load %arg4[%get3A_297, %get3A_298] {strides = array<i32>} : memref<8x1024xi32, #tpu.memory_space<vmem>>, vector<16xi32>,
        %add3A_300 = arith.constant 64 : i32
        %add3A_301 = arith.addi %mul3A_280, %add3A_300 : i32
        %get3A_302 = arith.index_cast %select_n3A_262 : i32 to index
        %get3A_303 = arith.index_cast %add3A_301 : i32 to index
        %get3A_304 = tpu.vector_load %arg4[%get3A_302, %get3A_303] {strides = array<i32>} : memref<8x1024xi32, #tpu.memory_space<vmem>>, vector<16xi32>,
        %add3A_305 = arith.constant 80 : i32
        %add3A_306 = arith.addi %mul3A_280, %add3A_305 : i32
        %get3A_307 = arith.index_cast %select_n3A_262 : i32 to index
        %get3A_308 = arith.index_cast %add3A_306 : i32 to index
        %get3A_309 = tpu.vector_load %arg4[%get3A_307, %get3A_308] {strides = array<i32>} : memref<8x1024xi32, #tpu.memory_space<vmem>>, vector<16xi32>,
        %add3A_310 = arith.constant 96 : i32
        %add3A_311 = arith.addi %mul3A_280, %add3A_310 : i32
        %get3A_312 = arith.index_cast %select_n3A_262 : i32 to index
        %get3A_313 = arith.index_cast %add3A_311 : i32 to index
        %get3A_314 = tpu.vector_load %arg4[%get3A_312, %get3A_313] {strides = array<i32>} : memref<8x1024xi32, #tpu.memory_space<vmem>>, vector<16xi32>,
        %add3A_315 = arith.constant 112 : i32
        %add3A_316 = arith.addi %mul3A_280, %add3A_315 : i32
        %get3A_317 = arith.index_cast %select_n3A_262 : i32 to index
        %get3A_318 = arith.index_cast %add3A_316 : i32 to index
        %get3A_319 = tpu.vector_load %arg4[%get3A_317, %get3A_318] {strides = array<i32>} : memref<8x1024xi32, #tpu.memory_space<vmem>>, vector<16xi32>,
        %add3A_320 = arith.constant 128 : i32
        %add3A_321 = arith.addi %mul3A_280, %add3A_320 : i32
        %get3A_322 = arith.index_cast %select_n3A_262 : i32 to index
        %get3A_323 = arith.index_cast %add3A_321 : i32 to index
        %get3A_324 = tpu.vector_load %arg4[%get3A_322, %get3A_323] {strides = array<i32>} : memref<8x1024xi32, #tpu.memory_space<vmem>>, vector<16xi32>,
        %add3A_325 = arith.constant 144 : i32
        %add3A_326 = arith.addi %mul3A_280, %add3A_325 : i32
        %get3A_327 = arith.index_cast %select_n3A_262 : i32 to index
        %get3A_328 = arith.index_cast %add3A_326 : i32 to index
        %get3A_329 = tpu.vector_load %arg4[%get3A_327, %get3A_328] {strides = array<i32>} : memref<8x1024xi32, #tpu.memory_space<vmem>>, vector<16xi32>,
        %add3A_330 = arith.constant 160 : i32
        %add3A_331 = arith.addi %mul3A_280, %add3A_330 : i32
        %get3A_332 = arith.index_cast %select_n3A_262 : i32 to index
        %get3A_333 = arith.index_cast %add3A_331 : i32 to index
        %get3A_334 = tpu.vector_load %arg4[%get3A_332, %get3A_333] {strides = array<i32>} : memref<8x1024xi32, #tpu.memory_space<vmem>>, vector<16xi32>,
        %add3A_335 = arith.constant 176 : i32
        %add3A_336 = arith.addi %mul3A_280, %add3A_335 : i32
        %get3A_337 = arith.index_cast %select_n3A_262 : i32 to index
        %get3A_338 = arith.index_cast %add3A_336 : i32 to index
        %get3A_339 = tpu.vector_load %arg4[%get3A_337, %get3A_338] {strides = array<i32>} : memref<8x1024xi32, #tpu.memory_space<vmem>>, vector<16xi32>,
        %add3A_340 = arith.constant 192 : i32
        %add3A_341 = arith.addi %mul3A_280, %add3A_340 : i32
        %get3A_342 = arith.index_cast %select_n3A_262 : i32 to index
        %get3A_343 = arith.index_cast %add3A_341 : i32 to index
        %get3A_344 = tpu.vector_load %arg4[%get3A_342, %get3A_343] {strides = array<i32>} : memref<8x1024xi32, #tpu.memory_space<vmem>>, vector<16xi32>,
        %add3A_345 = arith.constant 208 : i32
        %add3A_346 = arith.addi %mul3A_280, %add3A_345 : i32
        %get3A_347 = arith.index_cast %select_n3A_262 : i32 to index
        %get3A_348 = arith.index_cast %add3A_346 : i32 to index
        %get3A_349 = tpu.vector_load %arg4[%get3A_347, %get3A_348] {strides = array<i32>} : memref<8x1024xi32, #tpu.memory_space<vmem>>, vector<16xi32>,
        %add3A_350 = arith.constant 224 : i32
        %add3A_351 = arith.addi %mul3A_280, %add3A_350 : i32
        %get3A_352 = arith.index_cast %select_n3A_262 : i32 to index
        %get3A_353 = arith.index_cast %add3A_351 : i32 to index
        %get3A_354 = tpu.vector_load %arg4[%get3A_352, %get3A_353] {strides = array<i32>} : memref<8x1024xi32, #tpu.memory_space<vmem>>, vector<16xi32>,
        %add3A_355 = arith.constant 240 : i32
        %add3A_356 = arith.addi %mul3A_280, %add3A_355 : i32
        %get3A_357 = arith.index_cast %select_n3A_262 : i32 to index
        %get3A_358 = arith.index_cast %add3A_356 : i32 to index
        %get3A_359 = tpu.vector_load %arg4[%get3A_357, %get3A_358] {strides = array<i32>} : memref<8x1024xi32, #tpu.memory_space<vmem>>, vector<16xi32>,
        %shift_right_arithmetic3A = arith.constant 7 : i32
        %shift_right_arithmetic3A_360 = vector.broadcast %shift_right_arithmetic3A : i32 to vector<16xi32>
        %shift_right_arithmetic3A_361 = arith.shrsi %get3A_284, %shift_right_arithmetic3A_360 : vector<16xi32>
        %and3A_362 = arith.constant 127 : i32
        %and3A_363 = vector.broadcast %and3A_362 : i32 to vector<16xi32>
        %and3A_364 = arith.andi %get3A_284, %and3A_363 : vector<16xi32>
        tpu.vector_store_idx %arg7[%shift_right_arithmetic3A_361, %and3A_364], %broadcast_in_dim3A_10 {add = true} : memref<800x128xi32, #tpu.memory_space<vmem>>[vector<16xi32>, vector<16xi32>], vector<16xi32>,
        %shift_right_arithmetic3A_365 = arith.constant 7 : i32
        %shift_right_arithmetic3A_366 = vector.broadcast %shift_right_arithmetic3A_365 : i32 to vector<16xi32>
        %shift_right_arithmetic3A_367 = arith.shrsi %get3A_289, %shift_right_arithmetic3A_366 : vector<16xi32>
        %and3A_368 = arith.constant 127 : i32
        %and3A_369 = vector.broadcast %and3A_368 : i32 to vector<16xi32>
        %and3A_370 = arith.andi %get3A_289, %and3A_369 : vector<16xi32>
        tpu.vector_store_idx %arg7[%shift_right_arithmetic3A_367, %and3A_370], %broadcast_in_dim3A_10 {add = true} : memref<800x128xi32, #tpu.memory_space<vmem>>[vector<16xi32>, vector<16xi32>], vector<16xi32>,
        %shift_right_arithmetic3A_371 = arith.constant 7 : i32
        %shift_right_arithmetic3A_372 = vector.broadcast %shift_right_arithmetic3A_371 : i32 to vector<16xi32>
        %shift_right_arithmetic3A_373 = arith.shrsi %get3A_294, %shift_right_arithmetic3A_372 : vector<16xi32>
        %and3A_374 = arith.constant 127 : i32
        %and3A_375 = vector.broadcast %and3A_374 : i32 to vector<16xi32>
        %and3A_376 = arith.andi %get3A_294, %and3A_375 : vector<16xi32>
        tpu.vector_store_idx %arg7[%shift_right_arithmetic3A_373, %and3A_376], %broadcast_in_dim3A_10 {add = true} : memref<800x128xi32, #tpu.memory_space<vmem>>[vector<16xi32>, vector<16xi32>], vector<16xi32>,
        %shift_right_arithmetic3A_377 = arith.constant 7 : i32
        %shift_right_arithmetic3A_378 = vector.broadcast %shift_right_arithmetic3A_377 : i32 to vector<16xi32>
        %shift_right_arithmetic3A_379 = arith.shrsi %get3A_299, %shift_right_arithmetic3A_378 : vector<16xi32>
        %and3A_380 = arith.constant 127 : i32
        %and3A_381 = vector.broadcast %and3A_380 : i32 to vector<16xi32>
        %and3A_382 = arith.andi %get3A_299, %and3A_381 : vector<16xi32>
        tpu.vector_store_idx %arg7[%shift_right_arithmetic3A_379, %and3A_382], %broadcast_in_dim3A_10 {add = true} : memref<800x128xi32, #tpu.memory_space<vmem>>[vector<16xi32>, vector<16xi32>], vector<16xi32>,
        %shift_right_arithmetic3A_383 = arith.constant 7 : i32
        %shift_right_arithmetic3A_384 = vector.broadcast %shift_right_arithmetic3A_383 : i32 to vector<16xi32>
        %shift_right_arithmetic3A_385 = arith.shrsi %get3A_304, %shift_right_arithmetic3A_384 : vector<16xi32>
        %and3A_386 = arith.constant 127 : i32
        %and3A_387 = vector.broadcast %and3A_386 : i32 to vector<16xi32>
        %and3A_388 = arith.andi %get3A_304, %and3A_387 : vector<16xi32>
        tpu.vector_store_idx %arg7[%shift_right_arithmetic3A_385, %and3A_388], %broadcast_in_dim3A_10 {add = true} : memref<800x128xi32, #tpu.memory_space<vmem>>[vector<16xi32>, vector<16xi32>], vector<16xi32>,
        %shift_right_arithmetic3A_389 = arith.constant 7 : i32
        %shift_right_arithmetic3A_390 = vector.broadcast %shift_right_arithmetic3A_389 : i32 to vector<16xi32>
        %shift_right_arithmetic3A_391 = arith.shrsi %get3A_309, %shift_right_arithmetic3A_390 : vector<16xi32>
        %and3A_392 = arith.constant 127 : i32
        %and3A_393 = vector.broadcast %and3A_392 : i32 to vector<16xi32>
        %and3A_394 = arith.andi %get3A_309, %and3A_393 : vector<16xi32>
        tpu.vector_store_idx %arg7[%shift_right_arithmetic3A_391, %and3A_394], %broadcast_in_dim3A_10 {add = true} : memref<800x128xi32, #tpu.memory_space<vmem>>[vector<16xi32>, vector<16xi32>], vector<16xi32>,
        %shift_right_arithmetic3A_395 = arith.constant 7 : i32
        %shift_right_arithmetic3A_396 = vector.broadcast %shift_right_arithmetic3A_395 : i32 to vector<16xi32>
        %shift_right_arithmetic3A_397 = arith.shrsi %get3A_314, %shift_right_arithmetic3A_396 : vector<16xi32>
        %and3A_398 = arith.constant 127 : i32
        %and3A_399 = vector.broadcast %and3A_398 : i32 to vector<16xi32>
        %and3A_400 = arith.andi %get3A_314, %and3A_399 : vector<16xi32>
        tpu.vector_store_idx %arg7[%shift_right_arithmetic3A_397, %and3A_400], %broadcast_in_dim3A_10 {add = true} : memref<800x128xi32, #tpu.memory_space<vmem>>[vector<16xi32>, vector<16xi32>], vector<16xi32>,
        %shift_right_arithmetic3A_401 = arith.constant 7 : i32
        %shift_right_arithmetic3A_402 = vector.broadcast %shift_right_arithmetic3A_401 : i32 to vector<16xi32>
        %shift_right_arithmetic3A_403 = arith.shrsi %get3A_319, %shift_right_arithmetic3A_402 : vector<16xi32>
        %and3A_404 = arith.constant 127 : i32
        %and3A_405 = vector.broadcast %and3A_404 : i32 to vector<16xi32>
        %and3A_406 = arith.andi %get3A_319, %and3A_405 : vector<16xi32>
        tpu.vector_store_idx %arg7[%shift_right_arithmetic3A_403, %and3A_406], %broadcast_in_dim3A_10 {add = true} : memref<800x128xi32, #tpu.memory_space<vmem>>[vector<16xi32>, vector<16xi32>], vector<16xi32>,
        %shift_right_arithmetic3A_407 = arith.constant 7 : i32
        %shift_right_arithmetic3A_408 = vector.broadcast %shift_right_arithmetic3A_407 : i32 to vector<16xi32>
        %shift_right_arithmetic3A_409 = arith.shrsi %get3A_324, %shift_right_arithmetic3A_408 : vector<16xi32>
        %and3A_410 = arith.constant 127 : i32
        %and3A_411 = vector.broadcast %and3A_410 : i32 to vector<16xi32>
        %and3A_412 = arith.andi %get3A_324, %and3A_411 : vector<16xi32>
        tpu.vector_store_idx %arg7[%shift_right_arithmetic3A_409, %and3A_412], %broadcast_in_dim3A_10 {add = true} : memref<800x128xi32, #tpu.memory_space<vmem>>[vector<16xi32>, vector<16xi32>], vector<16xi32>,
        %shift_right_arithmetic3A_413 = arith.constant 7 : i32
        %shift_right_arithmetic3A_414 = vector.broadcast %shift_right_arithmetic3A_413 : i32 to vector<16xi32>
        %shift_right_arithmetic3A_415 = arith.shrsi %get3A_329, %shift_right_arithmetic3A_414 : vector<16xi32>
        %and3A_416 = arith.constant 127 : i32
        %and3A_417 = vector.broadcast %and3A_416 : i32 to vector<16xi32>
        %and3A_418 = arith.andi %get3A_329, %and3A_417 : vector<16xi32>
        tpu.vector_store_idx %arg7[%shift_right_arithmetic3A_415, %and3A_418], %broadcast_in_dim3A_10 {add = true} : memref<800x128xi32, #tpu.memory_space<vmem>>[vector<16xi32>, vector<16xi32>], vector<16xi32>,
        %shift_right_arithmetic3A_419 = arith.constant 7 : i32
        %shift_right_arithmetic3A_420 = vector.broadcast %shift_right_arithmetic3A_419 : i32 to vector<16xi32>
        %shift_right_arithmetic3A_421 = arith.shrsi %get3A_334, %shift_right_arithmetic3A_420 : vector<16xi32>
        %and3A_422 = arith.constant 127 : i32
        %and3A_423 = vector.broadcast %and3A_422 : i32 to vector<16xi32>
        %and3A_424 = arith.andi %get3A_334, %and3A_423 : vector<16xi32>
        tpu.vector_store_idx %arg7[%shift_right_arithmetic3A_421, %and3A_424], %broadcast_in_dim3A_10 {add = true} : memref<800x128xi32, #tpu.memory_space<vmem>>[vector<16xi32>, vector<16xi32>], vector<16xi32>,
        %shift_right_arithmetic3A_425 = arith.constant 7 : i32
        %shift_right_arithmetic3A_426 = vector.broadcast %shift_right_arithmetic3A_425 : i32 to vector<16xi32>
        %shift_right_arithmetic3A_427 = arith.shrsi %get3A_339, %shift_right_arithmetic3A_426 : vector<16xi32>
        %and3A_428 = arith.constant 127 : i32
        %and3A_429 = vector.broadcast %and3A_428 : i32 to vector<16xi32>
        %and3A_430 = arith.andi %get3A_339, %and3A_429 : vector<16xi32>
        tpu.vector_store_idx %arg7[%shift_right_arithmetic3A_427, %and3A_430], %broadcast_in_dim3A_10 {add = true} : memref<800x128xi32, #tpu.memory_space<vmem>>[vector<16xi32>, vector<16xi32>], vector<16xi32>,
        %shift_right_arithmetic3A_431 = arith.constant 7 : i32
        %shift_right_arithmetic3A_432 = vector.broadcast %shift_right_arithmetic3A_431 : i32 to vector<16xi32>
        %shift_right_arithmetic3A_433 = arith.shrsi %get3A_344, %shift_right_arithmetic3A_432 : vector<16xi32>
        %and3A_434 = arith.constant 127 : i32
        %and3A_435 = vector.broadcast %and3A_434 : i32 to vector<16xi32>
        %and3A_436 = arith.andi %get3A_344, %and3A_435 : vector<16xi32>
        tpu.vector_store_idx %arg7[%shift_right_arithmetic3A_433, %and3A_436], %broadcast_in_dim3A_10 {add = true} : memref<800x128xi32, #tpu.memory_space<vmem>>[vector<16xi32>, vector<16xi32>], vector<16xi32>,
        %shift_right_arithmetic3A_437 = arith.constant 7 : i32
        %shift_right_arithmetic3A_438 = vector.broadcast %shift_right_arithmetic3A_437 : i32 to vector<16xi32>
        %shift_right_arithmetic3A_439 = arith.shrsi %get3A_349, %shift_right_arithmetic3A_438 : vector<16xi32>
        %and3A_440 = arith.constant 127 : i32
        %and3A_441 = vector.broadcast %and3A_440 : i32 to vector<16xi32>
        %and3A_442 = arith.andi %get3A_349, %and3A_441 : vector<16xi32>
        tpu.vector_store_idx %arg7[%shift_right_arithmetic3A_439, %and3A_442], %broadcast_in_dim3A_10 {add = true} : memref<800x128xi32, #tpu.memory_space<vmem>>[vector<16xi32>, vector<16xi32>], vector<16xi32>,
        %shift_right_arithmetic3A_443 = arith.constant 7 : i32
        %shift_right_arithmetic3A_444 = vector.broadcast %shift_right_arithmetic3A_443 : i32 to vector<16xi32>
        %shift_right_arithmetic3A_445 = arith.shrsi %get3A_354, %shift_right_arithmetic3A_444 : vector<16xi32>
        %and3A_446 = arith.constant 127 : i32
        %and3A_447 = vector.broadcast %and3A_446 : i32 to vector<16xi32>
        %and3A_448 = arith.andi %get3A_354, %and3A_447 : vector<16xi32>
        tpu.vector_store_idx %arg7[%shift_right_arithmetic3A_445, %and3A_448], %broadcast_in_dim3A_10 {add = true} : memref<800x128xi32, #tpu.memory_space<vmem>>[vector<16xi32>, vector<16xi32>], vector<16xi32>,
        %shift_right_arithmetic3A_449 = arith.constant 7 : i32
        %shift_right_arithmetic3A_450 = vector.broadcast %shift_right_arithmetic3A_449 : i32 to vector<16xi32>
        %shift_right_arithmetic3A_451 = arith.shrsi %get3A_359, %shift_right_arithmetic3A_450 : vector<16xi32>
        %and3A_452 = arith.constant 127 : i32
        %and3A_453 = vector.broadcast %and3A_452 : i32 to vector<16xi32>
        %and3A_454 = arith.andi %get3A_359, %and3A_453 : vector<16xi32>
        tpu.vector_store_idx %arg7[%shift_right_arithmetic3A_451, %and3A_454], %broadcast_in_dim3A_10 {add = true} : memref<800x128xi32, #tpu.memory_space<vmem>>[vector<16xi32>, vector<16xi32>], vector<16xi32>,
      }
      %scan3A_104 = arith.constant 32 : i32
      %add3A_105 = arith.constant 3 : i32
      %add3A_106 = arith.addi %add3A_61, %add3A_105 : i32
      %lt3A_107 = arith.constant 32 : i32
      %lt3A_108 = arith.cmpi slt, %add3A_106, %lt3A_107 : i32
      %convert_element_type3A = arith.extui %lt3A_108 : i1 to i32
      %cond3A = arith.constant 0 : i32
      %cond3A_109 = arith.cmpi ne, %convert_element_type3A, %cond3A : i32
      scf.if %cond3A_109 {
        %add3A_238 = arith.constant 3 : i32
        %add3A_239 = arith.addi %add3A_61, %add3A_238 : i32
        %jit3A_240 = arith.constant 2 : i32
        %div3A_241 = arith.divsi %add3A_239, %jit3A_240 : i32
        %sign3A_242 = arith.constant 0 : i32
        %sign3A_243 = arith.cmpi sgt, %add3A_239, %sign3A_242 : i32
        %sign3A_244 = arith.extui %sign3A_243 : i1 to i32
        %sign3A_245 = arith.constant 0 : i32
        %sign3A_246 = arith.cmpi slt, %add3A_239, %sign3A_245 : i32
        %sign3A_247 = arith.extui %sign3A_246 : i1 to i32
        %sign3A_248 = arith.subi %sign3A_244, %sign3A_247 : i32
        %sign3A_249 = arith.constant 0 : i32
        %sign3A_250 = arith.cmpi sgt, %jit3A_240, %sign3A_249 : i32
        %sign3A_251 = arith.extui %sign3A_250 : i1 to i32
        %sign3A_252 = arith.constant 0 : i32
        %sign3A_253 = arith.cmpi slt, %jit3A_240, %sign3A_252 : i32
        %sign3A_254 = arith.extui %sign3A_253 : i1 to i32
        %sign3A_255 = arith.subi %sign3A_251, %sign3A_254 : i32
        %ne3A_256 = arith.cmpi ne, %sign3A_248, %sign3A_255 : i32
        %rem3A_257 = arith.remsi %add3A_239, %jit3A_240 : i32
        %ne3A_258 = arith.constant 0 : i32
        %ne3A_259 = arith.cmpi ne, %rem3A_257, %ne3A_258 : i32
        %and3A_260 = arith.andi %ne3A_256, %ne3A_259 : i1
        %sub3A_261 = arith.constant 1 : i32
        %sub3A_262 = arith.subi %div3A_241, %sub3A_261 : i32
        %select_n3A_263 = arith.select %and3A_260, %sub3A_262, %div3A_241 : i32
        %mul3A_264 = arith.constant 8 : i32
        %mul3A_265 = arith.muli %select_n3A_263, %mul3A_264 : i32
        %add3A_266 = arith.addi %mul3A_2, %mul3A_265 : i32
        %jit3A_267 = arith.constant 2 : i32
        %eq3A_268 = arith.constant 0 : i32
        %eq3A_269 = arith.cmpi eq, %jit3A_267, %eq3A_268 : i32
        %jit3A_270 = arith.constant 1 : i32
        %select_n3A_271 = arith.select %eq3A_269, %jit3A_270, %jit3A_267 : i32
        %rem3A_272 = arith.remsi %add3A_239, %select_n3A_271 : i32
        %ne3A_273 = arith.constant 0 : i32
        %ne3A_274 = arith.cmpi ne, %rem3A_272, %ne3A_273 : i32
        %lt3A_275 = arith.constant 0 : i32
        %lt3A_276 = arith.cmpi slt, %rem3A_272, %lt3A_275 : i32
        %lt3A_277 = arith.constant 0 : i32
        %lt3A_278 = arith.cmpi slt, %select_n3A_271, %lt3A_277 : i32
        %ne3A_279 = arith.xori %lt3A_276, %lt3A_278 : i1
        %and3A_280 = arith.andi %ne3A_279, %ne3A_274 : i1
        %add3A_281 = arith.addi %rem3A_272, %select_n3A_271 : i32
        %select_n3A_282 = arith.select %and3A_280, %add3A_281, %rem3A_272 : i32
        %mul3A_283 = arith.constant 1024 : i32
        %mul3A_284 = arith.muli %select_n3A_282, %mul3A_283 : i32
        %dma_start3A_285 = tpu.memref_slice %arg2[%add3A_266, %mul3A_284] : memref<4096x2048xi32, #tpu.memory_space<hbm>> -> memref<8x1024xi32, #tpu.memory_space<hbm>>
        %dma_start3A_286 = tpu.memref_slice %arg2[%add3A_266, %mul3A_284] : memref<4096x2048xi32, #tpu.memory_space<hbm>> -> memref<8x1024xi32, #tpu.memory_space<hbm>>
        tpu.enqueue_dma source(%dma_start3A_286 : memref<8x1024xi32, #tpu.memory_space<hbm>>) target(%arg4 : memref<8x1024xi32, #tpu.memory_space<vmem>>) target_semaphore(%arg8 : memref<!tpu.dma_semaphore, #tpu.memory_space<semaphore_mem>>)
      } else {
      }
      %mul3A_110 = arith.constant 3 : i32
      %mul3A_111 = arith.muli %mul3A_110, %scan3A_57 : i32
      %add3A_112 = arith.constant 1 : i32
      %add3A_113 = arith.addi %mul3A_111, %add3A_112 : i32
      %jit3A_114 = arith.constant 2 : i32
      %div3A_115 = arith.divsi %add3A_113, %jit3A_114 : i32
      %sign3A_116 = arith.constant 0 : i32
      %sign3A_117 = arith.cmpi sgt, %add3A_113, %sign3A_116 : i32
      %sign3A_118 = arith.extui %sign3A_117 : i1 to i32
      %sign3A_119 = arith.constant 0 : i32
      %sign3A_120 = arith.cmpi slt, %add3A_113, %sign3A_119 : i32
      %sign3A_121 = arith.extui %sign3A_120 : i1 to i32
      %sign3A_122 = arith.subi %sign3A_118, %sign3A_121 : i32
      %sign3A_123 = arith.constant 0 : i32
      %sign3A_124 = arith.cmpi sgt, %jit3A_114, %sign3A_123 : i32
      %sign3A_125 = arith.extui %sign3A_124 : i1 to i32
      %sign3A_126 = arith.constant 0 : i32
      %sign3A_127 = arith.cmpi slt, %jit3A_114, %sign3A_126 : i32
      %sign3A_128 = arith.extui %sign3A_127 : i1 to i32
      %sign3A_129 = arith.subi %sign3A_125, %sign3A_128 : i32
      %ne3A_130 = arith.cmpi ne, %sign3A_122, %sign3A_129 : i32
      %rem3A_131 = arith.remsi %add3A_113, %jit3A_114 : i32
      %ne3A_132 = arith.constant 0 : i32
      %ne3A_133 = arith.cmpi ne, %rem3A_131, %ne3A_132 : i32
      %and3A_134 = arith.andi %ne3A_130, %ne3A_133 : i1
      %sub3A_135 = arith.constant 1 : i32
      %sub3A_136 = arith.subi %div3A_115, %sub3A_135 : i32
      %select_n3A_137 = arith.select %and3A_134, %sub3A_136, %div3A_115 : i32
      %mul3A_138 = arith.constant 8 : i32
      %mul3A_139 = arith.muli %select_n3A_137, %mul3A_138 : i32
      %add3A_140 = arith.addi %mul3A_2, %mul3A_139 : i32
      %jit3A_141 = arith.constant 2 : i32
      %eq3A_142 = arith.constant 0 : i32
      %eq3A_143 = arith.cmpi eq, %jit3A_141, %eq3A_142 : i32
      %jit3A_144 = arith.constant 1 : i32
      %select_n3A_145 = arith.select %eq3A_143, %jit3A_144, %jit3A_141 : i32
      %rem3A_146 = arith.remsi %add3A_113, %select_n3A_145 : i32
      %ne3A_147 = arith.constant 0 : i32
      %ne3A_148 = arith.cmpi ne, %rem3A_146, %ne3A_147 : i32
      %lt3A_149 = arith.constant 0 : i32
      %lt3A_150 = arith.cmpi slt, %rem3A_146, %lt3A_149 : i32
      %lt3A_151 = arith.constant 0 : i32
      %lt3A_152 = arith.cmpi slt, %select_n3A_145, %lt3A_151 : i32
      %ne3A_153 = arith.xori %lt3A_150, %lt3A_152 : i1
      %and3A_154 = arith.andi %ne3A_153, %ne3A_148 : i1
      %add3A_155 = arith.addi %rem3A_146, %select_n3A_145 : i32
      %select_n3A_156 = arith.select %and3A_154, %add3A_155, %rem3A_146 : i32
      %mul3A_157 = arith.constant 1024 : i32
      %mul3A_158 = arith.muli %select_n3A_156, %mul3A_157 : i32
      %dma_wait3A_159 = tpu.memref_slice %arg2[%add3A_140, %mul3A_158] : memref<4096x2048xi32, #tpu.memory_space<hbm>> -> memref<8x1024xi32, #tpu.memory_space<hbm>>
      %dma_wait3A_160 = tpu.memref_slice %arg2[%add3A_140, %mul3A_158] : memref<4096x2048xi32, #tpu.memory_space<hbm>> -> memref<8x1024xi32, #tpu.memory_space<hbm>>
      tpu.wait_dma2 semaphore(%arg9 : memref<!tpu.dma_semaphore, #tpu.memory_space<semaphore_mem>>) src(%dma_wait3A_160 : memref<8x1024xi32, #tpu.memory_space<hbm>>) dst(%arg5 : memref<8x1024xi32, #tpu.memory_space<vmem>>)
      %scan3A_161 = arith.constant 0 : i32
      %scan3A_162 = arith.constant 0 : i32
      %scan3A_163 = arith.constant 32 : i32
      %scan3A_164 = arith.addi %scan3A_162, %scan3A_163 : i32
      %scan3A_165 = arith.constant 1 : i32
      scf.for %scan3A_238 = %scan3A_162 to %scan3A_164 step %scan3A_165  : i32 {
        %jit3A_239 = arith.constant 4 : i32
        %div3A_240 = arith.divsi %scan3A_238, %jit3A_239 : i32
        %sign3A_241 = arith.constant 0 : i32
        %sign3A_242 = arith.cmpi sgt, %scan3A_238, %sign3A_241 : i32
        %sign3A_243 = arith.extui %sign3A_242 : i1 to i32
        %sign3A_244 = arith.constant 0 : i32
        %sign3A_245 = arith.cmpi slt, %scan3A_238, %sign3A_244 : i32
        %sign3A_246 = arith.extui %sign3A_245 : i1 to i32
        %sign3A_247 = arith.subi %sign3A_243, %sign3A_246 : i32
        %sign3A_248 = arith.constant 0 : i32
        %sign3A_249 = arith.cmpi sgt, %jit3A_239, %sign3A_248 : i32
        %sign3A_250 = arith.extui %sign3A_249 : i1 to i32
        %sign3A_251 = arith.constant 0 : i32
        %sign3A_252 = arith.cmpi slt, %jit3A_239, %sign3A_251 : i32
        %sign3A_253 = arith.extui %sign3A_252 : i1 to i32
        %sign3A_254 = arith.subi %sign3A_250, %sign3A_253 : i32
        %ne3A_255 = arith.cmpi ne, %sign3A_247, %sign3A_254 : i32
        %rem3A_256 = arith.remsi %scan3A_238, %jit3A_239 : i32
        %ne3A_257 = arith.constant 0 : i32
        %ne3A_258 = arith.cmpi ne, %rem3A_256, %ne3A_257 : i32
        %and3A_259 = arith.andi %ne3A_255, %ne3A_258 : i1
        %sub3A_260 = arith.constant 1 : i32
        %sub3A_261 = arith.subi %div3A_240, %sub3A_260 : i32
        %select_n3A_262 = arith.select %and3A_259, %sub3A_261, %div3A_240 : i32
        %jit3A_263 = arith.constant 4 : i32
        %eq3A_264 = arith.constant 0 : i32
        %eq3A_265 = arith.cmpi eq, %jit3A_263, %eq3A_264 : i32
        %jit3A_266 = arith.constant 1 : i32
        %select_n3A_267 = arith.select %eq3A_265, %jit3A_266, %jit3A_263 : i32
        %rem3A_268 = arith.remsi %scan3A_238, %select_n3A_267 : i32
        %ne3A_269 = arith.constant 0 : i32
        %ne3A_270 = arith.cmpi ne, %rem3A_268, %ne3A_269 : i32
        %lt3A_271 = arith.constant 0 : i32
        %lt3A_272 = arith.cmpi slt, %rem3A_268, %lt3A_271 : i32
        %lt3A_273 = arith.constant 0 : i32
        %lt3A_274 = arith.cmpi slt, %select_n3A_267, %lt3A_273 : i32
        %ne3A_275 = arith.xori %lt3A_272, %lt3A_274 : i1
        %and3A_276 = arith.andi %ne3A_275, %ne3A_270 : i1
        %add3A_277 = arith.addi %rem3A_268, %select_n3A_267 : i32
        %select_n3A_278 = arith.select %and3A_276, %add3A_277, %rem3A_268 : i32
        %mul3A_279 = arith.constant 256 : i32
        %mul3A_280 = arith.muli %select_n3A_278, %mul3A_279 : i32
        %add3A_281 = arith.constant 0 : i32
        %add3A_282 = arith.addi %mul3A_280, %add3A_281 : i32
        %get3A = arith.index_cast %select_n3A_262 : i32 to index
        %get3A_283 = arith.index_cast %add3A_282 : i32 to index
        %get3A_284 = tpu.vector_load %arg5[%get3A, %get3A_283] {strides = array<i32>} : memref<8x1024xi32, #tpu.memory_space<vmem>>, vector<16xi32>,
        %add3A_285 = arith.constant 16 : i32
        %add3A_286 = arith.addi %mul3A_280, %add3A_285 : i32
        %get3A_287 = arith.index_cast %select_n3A_262 : i32 to index
        %get3A_288 = arith.index_cast %add3A_286 : i32 to index
        %get3A_289 = tpu.vector_load %arg5[%get3A_287, %get3A_288] {strides = array<i32>} : memref<8x1024xi32, #tpu.memory_space<vmem>>, vector<16xi32>,
        %add3A_290 = arith.constant 32 : i32
        %add3A_291 = arith.addi %mul3A_280, %add3A_290 : i32
        %get3A_292 = arith.index_cast %select_n3A_262 : i32 to index
        %get3A_293 = arith.index_cast %add3A_291 : i32 to index
        %get3A_294 = tpu.vector_load %arg5[%get3A_292, %get3A_293] {strides = array<i32>} : memref<8x1024xi32, #tpu.memory_space<vmem>>, vector<16xi32>,
        %add3A_295 = arith.constant 48 : i32
        %add3A_296 = arith.addi %mul3A_280, %add3A_295 : i32
        %get3A_297 = arith.index_cast %select_n3A_262 : i32 to index
        %get3A_298 = arith.index_cast %add3A_296 : i32 to index
        %get3A_299 = tpu.vector_load %arg5[%get3A_297, %get3A_298] {strides = array<i32>} : memref<8x1024xi32, #tpu.memory_space<vmem>>, vector<16xi32>,
        %add3A_300 = arith.constant 64 : i32
        %add3A_301 = arith.addi %mul3A_280, %add3A_300 : i32
        %get3A_302 = arith.index_cast %select_n3A_262 : i32 to index
        %get3A_303 = arith.index_cast %add3A_301 : i32 to index
        %get3A_304 = tpu.vector_load %arg5[%get3A_302, %get3A_303] {strides = array<i32>} : memref<8x1024xi32, #tpu.memory_space<vmem>>, vector<16xi32>,
        %add3A_305 = arith.constant 80 : i32
        %add3A_306 = arith.addi %mul3A_280, %add3A_305 : i32
        %get3A_307 = arith.index_cast %select_n3A_262 : i32 to index
        %get3A_308 = arith.index_cast %add3A_306 : i32 to index
        %get3A_309 = tpu.vector_load %arg5[%get3A_307, %get3A_308] {strides = array<i32>} : memref<8x1024xi32, #tpu.memory_space<vmem>>, vector<16xi32>,
        %add3A_310 = arith.constant 96 : i32
        %add3A_311 = arith.addi %mul3A_280, %add3A_310 : i32
        %get3A_312 = arith.index_cast %select_n3A_262 : i32 to index
        %get3A_313 = arith.index_cast %add3A_311 : i32 to index
        %get3A_314 = tpu.vector_load %arg5[%get3A_312, %get3A_313] {strides = array<i32>} : memref<8x1024xi32, #tpu.memory_space<vmem>>, vector<16xi32>,
        %add3A_315 = arith.constant 112 : i32
        %add3A_316 = arith.addi %mul3A_280, %add3A_315 : i32
        %get3A_317 = arith.index_cast %select_n3A_262 : i32 to index
        %get3A_318 = arith.index_cast %add3A_316 : i32 to index
        %get3A_319 = tpu.vector_load %arg5[%get3A_317, %get3A_318] {strides = array<i32>} : memref<8x1024xi32, #tpu.memory_space<vmem>>, vector<16xi32>,
        %add3A_320 = arith.constant 128 : i32
        %add3A_321 = arith.addi %mul3A_280, %add3A_320 : i32
        %get3A_322 = arith.index_cast %select_n3A_262 : i32 to index
        %get3A_323 = arith.index_cast %add3A_321 : i32 to index
        %get3A_324 = tpu.vector_load %arg5[%get3A_322, %get3A_323] {strides = array<i32>} : memref<8x1024xi32, #tpu.memory_space<vmem>>, vector<16xi32>,
        %add3A_325 = arith.constant 144 : i32
        %add3A_326 = arith.addi %mul3A_280, %add3A_325 : i32
        %get3A_327 = arith.index_cast %select_n3A_262 : i32 to index
        %get3A_328 = arith.index_cast %add3A_326 : i32 to index
        %get3A_329 = tpu.vector_load %arg5[%get3A_327, %get3A_328] {strides = array<i32>} : memref<8x1024xi32, #tpu.memory_space<vmem>>, vector<16xi32>,
        %add3A_330 = arith.constant 160 : i32
        %add3A_331 = arith.addi %mul3A_280, %add3A_330 : i32
        %get3A_332 = arith.index_cast %select_n3A_262 : i32 to index
        %get3A_333 = arith.index_cast %add3A_331 : i32 to index
        %get3A_334 = tpu.vector_load %arg5[%get3A_332, %get3A_333] {strides = array<i32>} : memref<8x1024xi32, #tpu.memory_space<vmem>>, vector<16xi32>,
        %add3A_335 = arith.constant 176 : i32
        %add3A_336 = arith.addi %mul3A_280, %add3A_335 : i32
        %get3A_337 = arith.index_cast %select_n3A_262 : i32 to index
        %get3A_338 = arith.index_cast %add3A_336 : i32 to index
        %get3A_339 = tpu.vector_load %arg5[%get3A_337, %get3A_338] {strides = array<i32>} : memref<8x1024xi32, #tpu.memory_space<vmem>>, vector<16xi32>,
        %add3A_340 = arith.constant 192 : i32
        %add3A_341 = arith.addi %mul3A_280, %add3A_340 : i32
        %get3A_342 = arith.index_cast %select_n3A_262 : i32 to index
        %get3A_343 = arith.index_cast %add3A_341 : i32 to index
        %get3A_344 = tpu.vector_load %arg5[%get3A_342, %get3A_343] {strides = array<i32>} : memref<8x1024xi32, #tpu.memory_space<vmem>>, vector<16xi32>,
        %add3A_345 = arith.constant 208 : i32
        %add3A_346 = arith.addi %mul3A_280, %add3A_345 : i32
        %get3A_347 = arith.index_cast %select_n3A_262 : i32 to index
        %get3A_348 = arith.index_cast %add3A_346 : i32 to index
        %get3A_349 = tpu.vector_load %arg5[%get3A_347, %get3A_348] {strides = array<i32>} : memref<8x1024xi32, #tpu.memory_space<vmem>>, vector<16xi32>,
        %add3A_350 = arith.constant 224 : i32
        %add3A_351 = arith.addi %mul3A_280, %add3A_350 : i32
        %get3A_352 = arith.index_cast %select_n3A_262 : i32 to index
        %get3A_353 = arith.index_cast %add3A_351 : i32 to index
        %get3A_354 = tpu.vector_load %arg5[%get3A_352, %get3A_353] {strides = array<i32>} : memref<8x1024xi32, #tpu.memory_space<vmem>>, vector<16xi32>,
        %add3A_355 = arith.constant 240 : i32
        %add3A_356 = arith.addi %mul3A_280, %add3A_355 : i32
        %get3A_357 = arith.index_cast %select_n3A_262 : i32 to index
        %get3A_358 = arith.index_cast %add3A_356 : i32 to index
        %get3A_359 = tpu.vector_load %arg5[%get3A_357, %get3A_358] {strides = array<i32>} : memref<8x1024xi32, #tpu.memory_space<vmem>>, vector<16xi32>,
        %shift_right_arithmetic3A = arith.constant 7 : i32
        %shift_right_arithmetic3A_360 = vector.broadcast %shift_right_arithmetic3A : i32 to vector<16xi32>
        %shift_right_arithmetic3A_361 = arith.shrsi %get3A_284, %shift_right_arithmetic3A_360 : vector<16xi32>
        %and3A_362 = arith.constant 127 : i32
        %and3A_363 = vector.broadcast %and3A_362 : i32 to vector<16xi32>
        %and3A_364 = arith.andi %get3A_284, %and3A_363 : vector<16xi32>
        tpu.vector_store_idx %arg7[%shift_right_arithmetic3A_361, %and3A_364], %broadcast_in_dim3A_10 {add = true} : memref<800x128xi32, #tpu.memory_space<vmem>>[vector<16xi32>, vector<16xi32>], vector<16xi32>,
        %shift_right_arithmetic3A_365 = arith.constant 7 : i32
        %shift_right_arithmetic3A_366 = vector.broadcast %shift_right_arithmetic3A_365 : i32 to vector<16xi32>
        %shift_right_arithmetic3A_367 = arith.shrsi %get3A_289, %shift_right_arithmetic3A_366 : vector<16xi32>
        %and3A_368 = arith.constant 127 : i32
        %and3A_369 = vector.broadcast %and3A_368 : i32 to vector<16xi32>
        %and3A_370 = arith.andi %get3A_289, %and3A_369 : vector<16xi32>
        tpu.vector_store_idx %arg7[%shift_right_arithmetic3A_367, %and3A_370], %broadcast_in_dim3A_10 {add = true} : memref<800x128xi32, #tpu.memory_space<vmem>>[vector<16xi32>, vector<16xi32>], vector<16xi32>,
        %shift_right_arithmetic3A_371 = arith.constant 7 : i32
        %shift_right_arithmetic3A_372 = vector.broadcast %shift_right_arithmetic3A_371 : i32 to vector<16xi32>
        %shift_right_arithmetic3A_373 = arith.shrsi %get3A_294, %shift_right_arithmetic3A_372 : vector<16xi32>
        %and3A_374 = arith.constant 127 : i32
        %and3A_375 = vector.broadcast %and3A_374 : i32 to vector<16xi32>
        %and3A_376 = arith.andi %get3A_294, %and3A_375 : vector<16xi32>
        tpu.vector_store_idx %arg7[%shift_right_arithmetic3A_373, %and3A_376], %broadcast_in_dim3A_10 {add = true} : memref<800x128xi32, #tpu.memory_space<vmem>>[vector<16xi32>, vector<16xi32>], vector<16xi32>,
        %shift_right_arithmetic3A_377 = arith.constant 7 : i32
        %shift_right_arithmetic3A_378 = vector.broadcast %shift_right_arithmetic3A_377 : i32 to vector<16xi32>
        %shift_right_arithmetic3A_379 = arith.shrsi %get3A_299, %shift_right_arithmetic3A_378 : vector<16xi32>
        %and3A_380 = arith.constant 127 : i32
        %and3A_381 = vector.broadcast %and3A_380 : i32 to vector<16xi32>
        %and3A_382 = arith.andi %get3A_299, %and3A_381 : vector<16xi32>
        tpu.vector_store_idx %arg7[%shift_right_arithmetic3A_379, %and3A_382], %broadcast_in_dim3A_10 {add = true} : memref<800x128xi32, #tpu.memory_space<vmem>>[vector<16xi32>, vector<16xi32>], vector<16xi32>,
        %shift_right_arithmetic3A_383 = arith.constant 7 : i32
        %shift_right_arithmetic3A_384 = vector.broadcast %shift_right_arithmetic3A_383 : i32 to vector<16xi32>
        %shift_right_arithmetic3A_385 = arith.shrsi %get3A_304, %shift_right_arithmetic3A_384 : vector<16xi32>
        %and3A_386 = arith.constant 127 : i32
        %and3A_387 = vector.broadcast %and3A_386 : i32 to vector<16xi32>
        %and3A_388 = arith.andi %get3A_304, %and3A_387 : vector<16xi32>
        tpu.vector_store_idx %arg7[%shift_right_arithmetic3A_385, %and3A_388], %broadcast_in_dim3A_10 {add = true} : memref<800x128xi32, #tpu.memory_space<vmem>>[vector<16xi32>, vector<16xi32>], vector<16xi32>,
        %shift_right_arithmetic3A_389 = arith.constant 7 : i32
        %shift_right_arithmetic3A_390 = vector.broadcast %shift_right_arithmetic3A_389 : i32 to vector<16xi32>
        %shift_right_arithmetic3A_391 = arith.shrsi %get3A_309, %shift_right_arithmetic3A_390 : vector<16xi32>
        %and3A_392 = arith.constant 127 : i32
        %and3A_393 = vector.broadcast %and3A_392 : i32 to vector<16xi32>
        %and3A_394 = arith.andi %get3A_309, %and3A_393 : vector<16xi32>
        tpu.vector_store_idx %arg7[%shift_right_arithmetic3A_391, %and3A_394], %broadcast_in_dim3A_10 {add = true} : memref<800x128xi32, #tpu.memory_space<vmem>>[vector<16xi32>, vector<16xi32>], vector<16xi32>,
        %shift_right_arithmetic3A_395 = arith.constant 7 : i32
        %shift_right_arithmetic3A_396 = vector.broadcast %shift_right_arithmetic3A_395 : i32 to vector<16xi32>
        %shift_right_arithmetic3A_397 = arith.shrsi %get3A_314, %shift_right_arithmetic3A_396 : vector<16xi32>
        %and3A_398 = arith.constant 127 : i32
        %and3A_399 = vector.broadcast %and3A_398 : i32 to vector<16xi32>
        %and3A_400 = arith.andi %get3A_314, %and3A_399 : vector<16xi32>
        tpu.vector_store_idx %arg7[%shift_right_arithmetic3A_397, %and3A_400], %broadcast_in_dim3A_10 {add = true} : memref<800x128xi32, #tpu.memory_space<vmem>>[vector<16xi32>, vector<16xi32>], vector<16xi32>,
        %shift_right_arithmetic3A_401 = arith.constant 7 : i32
        %shift_right_arithmetic3A_402 = vector.broadcast %shift_right_arithmetic3A_401 : i32 to vector<16xi32>
        %shift_right_arithmetic3A_403 = arith.shrsi %get3A_319, %shift_right_arithmetic3A_402 : vector<16xi32>
        %and3A_404 = arith.constant 127 : i32
        %and3A_405 = vector.broadcast %and3A_404 : i32 to vector<16xi32>
        %and3A_406 = arith.andi %get3A_319, %and3A_405 : vector<16xi32>
        tpu.vector_store_idx %arg7[%shift_right_arithmetic3A_403, %and3A_406], %broadcast_in_dim3A_10 {add = true} : memref<800x128xi32, #tpu.memory_space<vmem>>[vector<16xi32>, vector<16xi32>], vector<16xi32>,
        %shift_right_arithmetic3A_407 = arith.constant 7 : i32
        %shift_right_arithmetic3A_408 = vector.broadcast %shift_right_arithmetic3A_407 : i32 to vector<16xi32>
        %shift_right_arithmetic3A_409 = arith.shrsi %get3A_324, %shift_right_arithmetic3A_408 : vector<16xi32>
        %and3A_410 = arith.constant 127 : i32
        %and3A_411 = vector.broadcast %and3A_410 : i32 to vector<16xi32>
        %and3A_412 = arith.andi %get3A_324, %and3A_411 : vector<16xi32>
        tpu.vector_store_idx %arg7[%shift_right_arithmetic3A_409, %and3A_412], %broadcast_in_dim3A_10 {add = true} : memref<800x128xi32, #tpu.memory_space<vmem>>[vector<16xi32>, vector<16xi32>], vector<16xi32>,
        %shift_right_arithmetic3A_413 = arith.constant 7 : i32
        %shift_right_arithmetic3A_414 = vector.broadcast %shift_right_arithmetic3A_413 : i32 to vector<16xi32>
        %shift_right_arithmetic3A_415 = arith.shrsi %get3A_329, %shift_right_arithmetic3A_414 : vector<16xi32>
        %and3A_416 = arith.constant 127 : i32
        %and3A_417 = vector.broadcast %and3A_416 : i32 to vector<16xi32>
        %and3A_418 = arith.andi %get3A_329, %and3A_417 : vector<16xi32>
        tpu.vector_store_idx %arg7[%shift_right_arithmetic3A_415, %and3A_418], %broadcast_in_dim3A_10 {add = true} : memref<800x128xi32, #tpu.memory_space<vmem>>[vector<16xi32>, vector<16xi32>], vector<16xi32>,
        %shift_right_arithmetic3A_419 = arith.constant 7 : i32
        %shift_right_arithmetic3A_420 = vector.broadcast %shift_right_arithmetic3A_419 : i32 to vector<16xi32>
        %shift_right_arithmetic3A_421 = arith.shrsi %get3A_334, %shift_right_arithmetic3A_420 : vector<16xi32>
        %and3A_422 = arith.constant 127 : i32
        %and3A_423 = vector.broadcast %and3A_422 : i32 to vector<16xi32>
        %and3A_424 = arith.andi %get3A_334, %and3A_423 : vector<16xi32>
        tpu.vector_store_idx %arg7[%shift_right_arithmetic3A_421, %and3A_424], %broadcast_in_dim3A_10 {add = true} : memref<800x128xi32, #tpu.memory_space<vmem>>[vector<16xi32>, vector<16xi32>], vector<16xi32>,
        %shift_right_arithmetic3A_425 = arith.constant 7 : i32
        %shift_right_arithmetic3A_426 = vector.broadcast %shift_right_arithmetic3A_425 : i32 to vector<16xi32>
        %shift_right_arithmetic3A_427 = arith.shrsi %get3A_339, %shift_right_arithmetic3A_426 : vector<16xi32>
        %and3A_428 = arith.constant 127 : i32
        %and3A_429 = vector.broadcast %and3A_428 : i32 to vector<16xi32>
        %and3A_430 = arith.andi %get3A_339, %and3A_429 : vector<16xi32>
        tpu.vector_store_idx %arg7[%shift_right_arithmetic3A_427, %and3A_430], %broadcast_in_dim3A_10 {add = true} : memref<800x128xi32, #tpu.memory_space<vmem>>[vector<16xi32>, vector<16xi32>], vector<16xi32>,
        %shift_right_arithmetic3A_431 = arith.constant 7 : i32
        %shift_right_arithmetic3A_432 = vector.broadcast %shift_right_arithmetic3A_431 : i32 to vector<16xi32>
        %shift_right_arithmetic3A_433 = arith.shrsi %get3A_344, %shift_right_arithmetic3A_432 : vector<16xi32>
        %and3A_434 = arith.constant 127 : i32
        %and3A_435 = vector.broadcast %and3A_434 : i32 to vector<16xi32>
        %and3A_436 = arith.andi %get3A_344, %and3A_435 : vector<16xi32>
        tpu.vector_store_idx %arg7[%shift_right_arithmetic3A_433, %and3A_436], %broadcast_in_dim3A_10 {add = true} : memref<800x128xi32, #tpu.memory_space<vmem>>[vector<16xi32>, vector<16xi32>], vector<16xi32>,
        %shift_right_arithmetic3A_437 = arith.constant 7 : i32
        %shift_right_arithmetic3A_438 = vector.broadcast %shift_right_arithmetic3A_437 : i32 to vector<16xi32>
        %shift_right_arithmetic3A_439 = arith.shrsi %get3A_349, %shift_right_arithmetic3A_438 : vector<16xi32>
        %and3A_440 = arith.constant 127 : i32
        %and3A_441 = vector.broadcast %and3A_440 : i32 to vector<16xi32>
        %and3A_442 = arith.andi %get3A_349, %and3A_441 : vector<16xi32>
        tpu.vector_store_idx %arg7[%shift_right_arithmetic3A_439, %and3A_442], %broadcast_in_dim3A_10 {add = true} : memref<800x128xi32, #tpu.memory_space<vmem>>[vector<16xi32>, vector<16xi32>], vector<16xi32>,
        %shift_right_arithmetic3A_443 = arith.constant 7 : i32
        %shift_right_arithmetic3A_444 = vector.broadcast %shift_right_arithmetic3A_443 : i32 to vector<16xi32>
        %shift_right_arithmetic3A_445 = arith.shrsi %get3A_354, %shift_right_arithmetic3A_444 : vector<16xi32>
        %and3A_446 = arith.constant 127 : i32
        %and3A_447 = vector.broadcast %and3A_446 : i32 to vector<16xi32>
        %and3A_448 = arith.andi %get3A_354, %and3A_447 : vector<16xi32>
        tpu.vector_store_idx %arg7[%shift_right_arithmetic3A_445, %and3A_448], %broadcast_in_dim3A_10 {add = true} : memref<800x128xi32, #tpu.memory_space<vmem>>[vector<16xi32>, vector<16xi32>], vector<16xi32>,
        %shift_right_arithmetic3A_449 = arith.constant 7 : i32
        %shift_right_arithmetic3A_450 = vector.broadcast %shift_right_arithmetic3A_449 : i32 to vector<16xi32>
        %shift_right_arithmetic3A_451 = arith.shrsi %get3A_359, %shift_right_arithmetic3A_450 : vector<16xi32>
        %and3A_452 = arith.constant 127 : i32
        %and3A_453 = vector.broadcast %and3A_452 : i32 to vector<16xi32>
        %and3A_454 = arith.andi %get3A_359, %and3A_453 : vector<16xi32>
        tpu.vector_store_idx %arg7[%shift_right_arithmetic3A_451, %and3A_454], %broadcast_in_dim3A_10 {add = true} : memref<800x128xi32, #tpu.memory_space<vmem>>[vector<16xi32>, vector<16xi32>], vector<16xi32>,
      }
      %scan3A_166 = arith.constant 32 : i32
      %add3A_167 = arith.constant 3 : i32
      %add3A_168 = arith.addi %add3A_113, %add3A_167 : i32
      %lt3A_169 = arith.constant 32 : i32
      %lt3A_170 = arith.cmpi slt, %add3A_168, %lt3A_169 : i32
      %convert_element_type3A_171 = arith.extui %lt3A_170 : i1 to i32
      %cond3A_172 = arith.constant 0 : i32
      %cond3A_173 = arith.cmpi ne, %convert_element_type3A_171, %cond3A_172 : i32
      scf.if %cond3A_173 {
        %add3A_238 = arith.constant 3 : i32
        %add3A_239 = arith.addi %add3A_113, %add3A_238 : i32
        %jit3A_240 = arith.constant 2 : i32
        %div3A_241 = arith.divsi %add3A_239, %jit3A_240 : i32
        %sign3A_242 = arith.constant 0 : i32
        %sign3A_243 = arith.cmpi sgt, %add3A_239, %sign3A_242 : i32
        %sign3A_244 = arith.extui %sign3A_243 : i1 to i32
        %sign3A_245 = arith.constant 0 : i32
        %sign3A_246 = arith.cmpi slt, %add3A_239, %sign3A_245 : i32
        %sign3A_247 = arith.extui %sign3A_246 : i1 to i32
        %sign3A_248 = arith.subi %sign3A_244, %sign3A_247 : i32
        %sign3A_249 = arith.constant 0 : i32
        %sign3A_250 = arith.cmpi sgt, %jit3A_240, %sign3A_249 : i32
        %sign3A_251 = arith.extui %sign3A_250 : i1 to i32
        %sign3A_252 = arith.constant 0 : i32
        %sign3A_253 = arith.cmpi slt, %jit3A_240, %sign3A_252 : i32
        %sign3A_254 = arith.extui %sign3A_253 : i1 to i32
        %sign3A_255 = arith.subi %sign3A_251, %sign3A_254 : i32
        %ne3A_256 = arith.cmpi ne, %sign3A_248, %sign3A_255 : i32
        %rem3A_257 = arith.remsi %add3A_239, %jit3A_240 : i32
        %ne3A_258 = arith.constant 0 : i32
        %ne3A_259 = arith.cmpi ne, %rem3A_257, %ne3A_258 : i32
        %and3A_260 = arith.andi %ne3A_256, %ne3A_259 : i1
        %sub3A_261 = arith.constant 1 : i32
        %sub3A_262 = arith.subi %div3A_241, %sub3A_261 : i32
        %select_n3A_263 = arith.select %and3A_260, %sub3A_262, %div3A_241 : i32
        %mul3A_264 = arith.constant 8 : i32
        %mul3A_265 = arith.muli %select_n3A_263, %mul3A_264 : i32
        %add3A_266 = arith.addi %mul3A_2, %mul3A_265 : i32
        %jit3A_267 = arith.constant 2 : i32
        %eq3A_268 = arith.constant 0 : i32
        %eq3A_269 = arith.cmpi eq, %jit3A_267, %eq3A_268 : i32
        %jit3A_270 = arith.constant 1 : i32
        %select_n3A_271 = arith.select %eq3A_269, %jit3A_270, %jit3A_267 : i32
        %rem3A_272 = arith.remsi %add3A_239, %select_n3A_271 : i32
        %ne3A_273 = arith.constant 0 : i32
        %ne3A_274 = arith.cmpi ne, %rem3A_272, %ne3A_273 : i32
        %lt3A_275 = arith.constant 0 : i32
        %lt3A_276 = arith.cmpi slt, %rem3A_272, %lt3A_275 : i32
        %lt3A_277 = arith.constant 0 : i32
        %lt3A_278 = arith.cmpi slt, %select_n3A_271, %lt3A_277 : i32
        %ne3A_279 = arith.xori %lt3A_276, %lt3A_278 : i1
        %and3A_280 = arith.andi %ne3A_279, %ne3A_274 : i1
        %add3A_281 = arith.addi %rem3A_272, %select_n3A_271 : i32
        %select_n3A_282 = arith.select %and3A_280, %add3A_281, %rem3A_272 : i32
        %mul3A_283 = arith.constant 1024 : i32
        %mul3A_284 = arith.muli %select_n3A_282, %mul3A_283 : i32
        %dma_start3A_285 = tpu.memref_slice %arg2[%add3A_266, %mul3A_284] : memref<4096x2048xi32, #tpu.memory_space<hbm>> -> memref<8x1024xi32, #tpu.memory_space<hbm>>
        %dma_start3A_286 = tpu.memref_slice %arg2[%add3A_266, %mul3A_284] : memref<4096x2048xi32, #tpu.memory_space<hbm>> -> memref<8x1024xi32, #tpu.memory_space<hbm>>
        tpu.enqueue_dma source(%dma_start3A_286 : memref<8x1024xi32, #tpu.memory_space<hbm>>) target(%arg5 : memref<8x1024xi32, #tpu.memory_space<vmem>>) target_semaphore(%arg9 : memref<!tpu.dma_semaphore, #tpu.memory_space<semaphore_mem>>)
      } else {
      }
      %mul3A_174 = arith.constant 3 : i32
      %mul3A_175 = arith.muli %mul3A_174, %scan3A_57 : i32
      %add3A_176 = arith.constant 2 : i32
      %add3A_177 = arith.addi %mul3A_175, %add3A_176 : i32
      %jit3A_178 = arith.constant 2 : i32
      %div3A_179 = arith.divsi %add3A_177, %jit3A_178 : i32
      %sign3A_180 = arith.constant 0 : i32
      %sign3A_181 = arith.cmpi sgt, %add3A_177, %sign3A_180 : i32
      %sign3A_182 = arith.extui %sign3A_181 : i1 to i32
      %sign3A_183 = arith.constant 0 : i32
      %sign3A_184 = arith.cmpi slt, %add3A_177, %sign3A_183 : i32
      %sign3A_185 = arith.extui %sign3A_184 : i1 to i32
      %sign3A_186 = arith.subi %sign3A_182, %sign3A_185 : i32
      %sign3A_187 = arith.constant 0 : i32
      %sign3A_188 = arith.cmpi sgt, %jit3A_178, %sign3A_187 : i32
      %sign3A_189 = arith.extui %sign3A_188 : i1 to i32
      %sign3A_190 = arith.constant 0 : i32
      %sign3A_191 = arith.cmpi slt, %jit3A_178, %sign3A_190 : i32
      %sign3A_192 = arith.extui %sign3A_191 : i1 to i32
      %sign3A_193 = arith.subi %sign3A_189, %sign3A_192 : i32
      %ne3A_194 = arith.cmpi ne, %sign3A_186, %sign3A_193 : i32
      %rem3A_195 = arith.remsi %add3A_177, %jit3A_178 : i32
      %ne3A_196 = arith.constant 0 : i32
      %ne3A_197 = arith.cmpi ne, %rem3A_195, %ne3A_196 : i32
      %and3A_198 = arith.andi %ne3A_194, %ne3A_197 : i1
      %sub3A_199 = arith.constant 1 : i32
      %sub3A_200 = arith.subi %div3A_179, %sub3A_199 : i32
      %select_n3A_201 = arith.select %and3A_198, %sub3A_200, %div3A_179 : i32
      %mul3A_202 = arith.constant 8 : i32
      %mul3A_203 = arith.muli %select_n3A_201, %mul3A_202 : i32
      %add3A_204 = arith.addi %mul3A_2, %mul3A_203 : i32
      %jit3A_205 = arith.constant 2 : i32
      %eq3A_206 = arith.constant 0 : i32
      %eq3A_207 = arith.cmpi eq, %jit3A_205, %eq3A_206 : i32
      %jit3A_208 = arith.constant 1 : i32
      %select_n3A_209 = arith.select %eq3A_207, %jit3A_208, %jit3A_205 : i32
      %rem3A_210 = arith.remsi %add3A_177, %select_n3A_209 : i32
      %ne3A_211 = arith.constant 0 : i32
      %ne3A_212 = arith.cmpi ne, %rem3A_210, %ne3A_211 : i32
      %lt3A_213 = arith.constant 0 : i32
      %lt3A_214 = arith.cmpi slt, %rem3A_210, %lt3A_213 : i32
      %lt3A_215 = arith.constant 0 : i32
      %lt3A_216 = arith.cmpi slt, %select_n3A_209, %lt3A_215 : i32
      %ne3A_217 = arith.xori %lt3A_214, %lt3A_216 : i1
      %and3A_218 = arith.andi %ne3A_217, %ne3A_212 : i1
      %add3A_219 = arith.addi %rem3A_210, %select_n3A_209 : i32
      %select_n3A_220 = arith.select %and3A_218, %add3A_219, %rem3A_210 : i32
      %mul3A_221 = arith.constant 1024 : i32
      %mul3A_222 = arith.muli %select_n3A_220, %mul3A_221 : i32
      %dma_wait3A_223 = tpu.memref_slice %arg2[%add3A_204, %mul3A_222] : memref<4096x2048xi32, #tpu.memory_space<hbm>> -> memref<8x1024xi32, #tpu.memory_space<hbm>>
      %dma_wait3A_224 = tpu.memref_slice %arg2[%add3A_204, %mul3A_222] : memref<4096x2048xi32, #tpu.memory_space<hbm>> -> memref<8x1024xi32, #tpu.memory_space<hbm>>
      tpu.wait_dma2 semaphore(%arg10 : memref<!tpu.dma_semaphore, #tpu.memory_space<semaphore_mem>>) src(%dma_wait3A_224 : memref<8x1024xi32, #tpu.memory_space<hbm>>) dst(%arg6 : memref<8x1024xi32, #tpu.memory_space<vmem>>)
      %scan3A_225 = arith.constant 0 : i32
      %scan3A_226 = arith.constant 0 : i32
      %scan3A_227 = arith.constant 32 : i32
      %scan3A_228 = arith.addi %scan3A_226, %scan3A_227 : i32
      %scan3A_229 = arith.constant 1 : i32
      scf.for %scan3A_238 = %scan3A_226 to %scan3A_228 step %scan3A_229  : i32 {
        %jit3A_239 = arith.constant 4 : i32
        %div3A_240 = arith.divsi %scan3A_238, %jit3A_239 : i32
        %sign3A_241 = arith.constant 0 : i32
        %sign3A_242 = arith.cmpi sgt, %scan3A_238, %sign3A_241 : i32
        %sign3A_243 = arith.extui %sign3A_242 : i1 to i32
        %sign3A_244 = arith.constant 0 : i32
        %sign3A_245 = arith.cmpi slt, %scan3A_238, %sign3A_244 : i32
        %sign3A_246 = arith.extui %sign3A_245 : i1 to i32
        %sign3A_247 = arith.subi %sign3A_243, %sign3A_246 : i32
        %sign3A_248 = arith.constant 0 : i32
        %sign3A_249 = arith.cmpi sgt, %jit3A_239, %sign3A_248 : i32
        %sign3A_250 = arith.extui %sign3A_249 : i1 to i32
        %sign3A_251 = arith.constant 0 : i32
        %sign3A_252 = arith.cmpi slt, %jit3A_239, %sign3A_251 : i32
        %sign3A_253 = arith.extui %sign3A_252 : i1 to i32
        %sign3A_254 = arith.subi %sign3A_250, %sign3A_253 : i32
        %ne3A_255 = arith.cmpi ne, %sign3A_247, %sign3A_254 : i32
        %rem3A_256 = arith.remsi %scan3A_238, %jit3A_239 : i32
        %ne3A_257 = arith.constant 0 : i32
        %ne3A_258 = arith.cmpi ne, %rem3A_256, %ne3A_257 : i32
        %and3A_259 = arith.andi %ne3A_255, %ne3A_258 : i1
        %sub3A_260 = arith.constant 1 : i32
        %sub3A_261 = arith.subi %div3A_240, %sub3A_260 : i32
        %select_n3A_262 = arith.select %and3A_259, %sub3A_261, %div3A_240 : i32
        %jit3A_263 = arith.constant 4 : i32
        %eq3A_264 = arith.constant 0 : i32
        %eq3A_265 = arith.cmpi eq, %jit3A_263, %eq3A_264 : i32
        %jit3A_266 = arith.constant 1 : i32
        %select_n3A_267 = arith.select %eq3A_265, %jit3A_266, %jit3A_263 : i32
        %rem3A_268 = arith.remsi %scan3A_238, %select_n3A_267 : i32
        %ne3A_269 = arith.constant 0 : i32
        %ne3A_270 = arith.cmpi ne, %rem3A_268, %ne3A_269 : i32
        %lt3A_271 = arith.constant 0 : i32
        %lt3A_272 = arith.cmpi slt, %rem3A_268, %lt3A_271 : i32
        %lt3A_273 = arith.constant 0 : i32
        %lt3A_274 = arith.cmpi slt, %select_n3A_267, %lt3A_273 : i32
        %ne3A_275 = arith.xori %lt3A_272, %lt3A_274 : i1
        %and3A_276 = arith.andi %ne3A_275, %ne3A_270 : i1
        %add3A_277 = arith.addi %rem3A_268, %select_n3A_267 : i32
        %select_n3A_278 = arith.select %and3A_276, %add3A_277, %rem3A_268 : i32
        %mul3A_279 = arith.constant 256 : i32
        %mul3A_280 = arith.muli %select_n3A_278, %mul3A_279 : i32
        %add3A_281 = arith.constant 0 : i32
        %add3A_282 = arith.addi %mul3A_280, %add3A_281 : i32
        %get3A = arith.index_cast %select_n3A_262 : i32 to index
        %get3A_283 = arith.index_cast %add3A_282 : i32 to index
        %get3A_284 = tpu.vector_load %arg6[%get3A, %get3A_283] {strides = array<i32>} : memref<8x1024xi32, #tpu.memory_space<vmem>>, vector<16xi32>,
        %add3A_285 = arith.constant 16 : i32
        %add3A_286 = arith.addi %mul3A_280, %add3A_285 : i32
        %get3A_287 = arith.index_cast %select_n3A_262 : i32 to index
        %get3A_288 = arith.index_cast %add3A_286 : i32 to index
        %get3A_289 = tpu.vector_load %arg6[%get3A_287, %get3A_288] {strides = array<i32>} : memref<8x1024xi32, #tpu.memory_space<vmem>>, vector<16xi32>,
        %add3A_290 = arith.constant 32 : i32
        %add3A_291 = arith.addi %mul3A_280, %add3A_290 : i32
        %get3A_292 = arith.index_cast %select_n3A_262 : i32 to index
        %get3A_293 = arith.index_cast %add3A_291 : i32 to index
        %get3A_294 = tpu.vector_load %arg6[%get3A_292, %get3A_293] {strides = array<i32>} : memref<8x1024xi32, #tpu.memory_space<vmem>>, vector<16xi32>,
        %add3A_295 = arith.constant 48 : i32
        %add3A_296 = arith.addi %mul3A_280, %add3A_295 : i32
        %get3A_297 = arith.index_cast %select_n3A_262 : i32 to index
        %get3A_298 = arith.index_cast %add3A_296 : i32 to index
        %get3A_299 = tpu.vector_load %arg6[%get3A_297, %get3A_298] {strides = array<i32>} : memref<8x1024xi32, #tpu.memory_space<vmem>>, vector<16xi32>,
        %add3A_300 = arith.constant 64 : i32
        %add3A_301 = arith.addi %mul3A_280, %add3A_300 : i32
        %get3A_302 = arith.index_cast %select_n3A_262 : i32 to index
        %get3A_303 = arith.index_cast %add3A_301 : i32 to index
        %get3A_304 = tpu.vector_load %arg6[%get3A_302, %get3A_303] {strides = array<i32>} : memref<8x1024xi32, #tpu.memory_space<vmem>>, vector<16xi32>,
        %add3A_305 = arith.constant 80 : i32
        %add3A_306 = arith.addi %mul3A_280, %add3A_305 : i32
        %get3A_307 = arith.index_cast %select_n3A_262 : i32 to index
        %get3A_308 = arith.index_cast %add3A_306 : i32 to index
        %get3A_309 = tpu.vector_load %arg6[%get3A_307, %get3A_308] {strides = array<i32>} : memref<8x1024xi32, #tpu.memory_space<vmem>>, vector<16xi32>,
        %add3A_310 = arith.constant 96 : i32
        %add3A_311 = arith.addi %mul3A_280, %add3A_310 : i32
        %get3A_312 = arith.index_cast %select_n3A_262 : i32 to index
        %get3A_313 = arith.index_cast %add3A_311 : i32 to index
        %get3A_314 = tpu.vector_load %arg6[%get3A_312, %get3A_313] {strides = array<i32>} : memref<8x1024xi32, #tpu.memory_space<vmem>>, vector<16xi32>,
        %add3A_315 = arith.constant 112 : i32
        %add3A_316 = arith.addi %mul3A_280, %add3A_315 : i32
        %get3A_317 = arith.index_cast %select_n3A_262 : i32 to index
        %get3A_318 = arith.index_cast %add3A_316 : i32 to index
        %get3A_319 = tpu.vector_load %arg6[%get3A_317, %get3A_318] {strides = array<i32>} : memref<8x1024xi32, #tpu.memory_space<vmem>>, vector<16xi32>,
        %add3A_320 = arith.constant 128 : i32
        %add3A_321 = arith.addi %mul3A_280, %add3A_320 : i32
        %get3A_322 = arith.index_cast %select_n3A_262 : i32 to index
        %get3A_323 = arith.index_cast %add3A_321 : i32 to index
        %get3A_324 = tpu.vector_load %arg6[%get3A_322, %get3A_323] {strides = array<i32>} : memref<8x1024xi32, #tpu.memory_space<vmem>>, vector<16xi32>,
        %add3A_325 = arith.constant 144 : i32
        %add3A_326 = arith.addi %mul3A_280, %add3A_325 : i32
        %get3A_327 = arith.index_cast %select_n3A_262 : i32 to index
        %get3A_328 = arith.index_cast %add3A_326 : i32 to index
        %get3A_329 = tpu.vector_load %arg6[%get3A_327, %get3A_328] {strides = array<i32>} : memref<8x1024xi32, #tpu.memory_space<vmem>>, vector<16xi32>,
        %add3A_330 = arith.constant 160 : i32
        %add3A_331 = arith.addi %mul3A_280, %add3A_330 : i32
        %get3A_332 = arith.index_cast %select_n3A_262 : i32 to index
        %get3A_333 = arith.index_cast %add3A_331 : i32 to index
        %get3A_334 = tpu.vector_load %arg6[%get3A_332, %get3A_333] {strides = array<i32>} : memref<8x1024xi32, #tpu.memory_space<vmem>>, vector<16xi32>,
        %add3A_335 = arith.constant 176 : i32
        %add3A_336 = arith.addi %mul3A_280, %add3A_335 : i32
        %get3A_337 = arith.index_cast %select_n3A_262 : i32 to index
        %get3A_338 = arith.index_cast %add3A_336 : i32 to index
        %get3A_339 = tpu.vector_load %arg6[%get3A_337, %get3A_338] {strides = array<i32>} : memref<8x1024xi32, #tpu.memory_space<vmem>>, vector<16xi32>,
        %add3A_340 = arith.constant 192 : i32
        %add3A_341 = arith.addi %mul3A_280, %add3A_340 : i32
        %get3A_342 = arith.index_cast %select_n3A_262 : i32 to index
        %get3A_343 = arith.index_cast %add3A_341 : i32 to index
        %get3A_344 = tpu.vector_load %arg6[%get3A_342, %get3A_343] {strides = array<i32>} : memref<8x1024xi32, #tpu.memory_space<vmem>>, vector<16xi32>,
        %add3A_345 = arith.constant 208 : i32
        %add3A_346 = arith.addi %mul3A_280, %add3A_345 : i32
        %get3A_347 = arith.index_cast %select_n3A_262 : i32 to index
        %get3A_348 = arith.index_cast %add3A_346 : i32 to index
        %get3A_349 = tpu.vector_load %arg6[%get3A_347, %get3A_348] {strides = array<i32>} : memref<8x1024xi32, #tpu.memory_space<vmem>>, vector<16xi32>,
        %add3A_350 = arith.constant 224 : i32
        %add3A_351 = arith.addi %mul3A_280, %add3A_350 : i32
        %get3A_352 = arith.index_cast %select_n3A_262 : i32 to index
        %get3A_353 = arith.index_cast %add3A_351 : i32 to index
        %get3A_354 = tpu.vector_load %arg6[%get3A_352, %get3A_353] {strides = array<i32>} : memref<8x1024xi32, #tpu.memory_space<vmem>>, vector<16xi32>,
        %add3A_355 = arith.constant 240 : i32
        %add3A_356 = arith.addi %mul3A_280, %add3A_355 : i32
        %get3A_357 = arith.index_cast %select_n3A_262 : i32 to index
        %get3A_358 = arith.index_cast %add3A_356 : i32 to index
        %get3A_359 = tpu.vector_load %arg6[%get3A_357, %get3A_358] {strides = array<i32>} : memref<8x1024xi32, #tpu.memory_space<vmem>>, vector<16xi32>,
        %shift_right_arithmetic3A = arith.constant 7 : i32
        %shift_right_arithmetic3A_360 = vector.broadcast %shift_right_arithmetic3A : i32 to vector<16xi32>
        %shift_right_arithmetic3A_361 = arith.shrsi %get3A_284, %shift_right_arithmetic3A_360 : vector<16xi32>
        %and3A_362 = arith.constant 127 : i32
        %and3A_363 = vector.broadcast %and3A_362 : i32 to vector<16xi32>
        %and3A_364 = arith.andi %get3A_284, %and3A_363 : vector<16xi32>
        tpu.vector_store_idx %arg7[%shift_right_arithmetic3A_361, %and3A_364], %broadcast_in_dim3A_10 {add = true} : memref<800x128xi32, #tpu.memory_space<vmem>>[vector<16xi32>, vector<16xi32>], vector<16xi32>,
        %shift_right_arithmetic3A_365 = arith.constant 7 : i32
        %shift_right_arithmetic3A_366 = vector.broadcast %shift_right_arithmetic3A_365 : i32 to vector<16xi32>
        %shift_right_arithmetic3A_367 = arith.shrsi %get3A_289, %shift_right_arithmetic3A_366 : vector<16xi32>
        %and3A_368 = arith.constant 127 : i32
        %and3A_369 = vector.broadcast %and3A_368 : i32 to vector<16xi32>
        %and3A_370 = arith.andi %get3A_289, %and3A_369 : vector<16xi32>
        tpu.vector_store_idx %arg7[%shift_right_arithmetic3A_367, %and3A_370], %broadcast_in_dim3A_10 {add = true} : memref<800x128xi32, #tpu.memory_space<vmem>>[vector<16xi32>, vector<16xi32>], vector<16xi32>,
        %shift_right_arithmetic3A_371 = arith.constant 7 : i32
        %shift_right_arithmetic3A_372 = vector.broadcast %shift_right_arithmetic3A_371 : i32 to vector<16xi32>
        %shift_right_arithmetic3A_373 = arith.shrsi %get3A_294, %shift_right_arithmetic3A_372 : vector<16xi32>
        %and3A_374 = arith.constant 127 : i32
        %and3A_375 = vector.broadcast %and3A_374 : i32 to vector<16xi32>
        %and3A_376 = arith.andi %get3A_294, %and3A_375 : vector<16xi32>
        tpu.vector_store_idx %arg7[%shift_right_arithmetic3A_373, %and3A_376], %broadcast_in_dim3A_10 {add = true} : memref<800x128xi32, #tpu.memory_space<vmem>>[vector<16xi32>, vector<16xi32>], vector<16xi32>,
        %shift_right_arithmetic3A_377 = arith.constant 7 : i32
        %shift_right_arithmetic3A_378 = vector.broadcast %shift_right_arithmetic3A_377 : i32 to vector<16xi32>
        %shift_right_arithmetic3A_379 = arith.shrsi %get3A_299, %shift_right_arithmetic3A_378 : vector<16xi32>
        %and3A_380 = arith.constant 127 : i32
        %and3A_381 = vector.broadcast %and3A_380 : i32 to vector<16xi32>
        %and3A_382 = arith.andi %get3A_299, %and3A_381 : vector<16xi32>
        tpu.vector_store_idx %arg7[%shift_right_arithmetic3A_379, %and3A_382], %broadcast_in_dim3A_10 {add = true} : memref<800x128xi32, #tpu.memory_space<vmem>>[vector<16xi32>, vector<16xi32>], vector<16xi32>,
        %shift_right_arithmetic3A_383 = arith.constant 7 : i32
        %shift_right_arithmetic3A_384 = vector.broadcast %shift_right_arithmetic3A_383 : i32 to vector<16xi32>
        %shift_right_arithmetic3A_385 = arith.shrsi %get3A_304, %shift_right_arithmetic3A_384 : vector<16xi32>
        %and3A_386 = arith.constant 127 : i32
        %and3A_387 = vector.broadcast %and3A_386 : i32 to vector<16xi32>
        %and3A_388 = arith.andi %get3A_304, %and3A_387 : vector<16xi32>
        tpu.vector_store_idx %arg7[%shift_right_arithmetic3A_385, %and3A_388], %broadcast_in_dim3A_10 {add = true} : memref<800x128xi32, #tpu.memory_space<vmem>>[vector<16xi32>, vector<16xi32>], vector<16xi32>,
        %shift_right_arithmetic3A_389 = arith.constant 7 : i32
        %shift_right_arithmetic3A_390 = vector.broadcast %shift_right_arithmetic3A_389 : i32 to vector<16xi32>
        %shift_right_arithmetic3A_391 = arith.shrsi %get3A_309, %shift_right_arithmetic3A_390 : vector<16xi32>
        %and3A_392 = arith.constant 127 : i32
        %and3A_393 = vector.broadcast %and3A_392 : i32 to vector<16xi32>
        %and3A_394 = arith.andi %get3A_309, %and3A_393 : vector<16xi32>
        tpu.vector_store_idx %arg7[%shift_right_arithmetic3A_391, %and3A_394], %broadcast_in_dim3A_10 {add = true} : memref<800x128xi32, #tpu.memory_space<vmem>>[vector<16xi32>, vector<16xi32>], vector<16xi32>,
        %shift_right_arithmetic3A_395 = arith.constant 7 : i32
        %shift_right_arithmetic3A_396 = vector.broadcast %shift_right_arithmetic3A_395 : i32 to vector<16xi32>
        %shift_right_arithmetic3A_397 = arith.shrsi %get3A_314, %shift_right_arithmetic3A_396 : vector<16xi32>
        %and3A_398 = arith.constant 127 : i32
        %and3A_399 = vector.broadcast %and3A_398 : i32 to vector<16xi32>
        %and3A_400 = arith.andi %get3A_314, %and3A_399 : vector<16xi32>
        tpu.vector_store_idx %arg7[%shift_right_arithmetic3A_397, %and3A_400], %broadcast_in_dim3A_10 {add = true} : memref<800x128xi32, #tpu.memory_space<vmem>>[vector<16xi32>, vector<16xi32>], vector<16xi32>,
        %shift_right_arithmetic3A_401 = arith.constant 7 : i32
        %shift_right_arithmetic3A_402 = vector.broadcast %shift_right_arithmetic3A_401 : i32 to vector<16xi32>
        %shift_right_arithmetic3A_403 = arith.shrsi %get3A_319, %shift_right_arithmetic3A_402 : vector<16xi32>
        %and3A_404 = arith.constant 127 : i32
        %and3A_405 = vector.broadcast %and3A_404 : i32 to vector<16xi32>
        %and3A_406 = arith.andi %get3A_319, %and3A_405 : vector<16xi32>
        tpu.vector_store_idx %arg7[%shift_right_arithmetic3A_403, %and3A_406], %broadcast_in_dim3A_10 {add = true} : memref<800x128xi32, #tpu.memory_space<vmem>>[vector<16xi32>, vector<16xi32>], vector<16xi32>,
        %shift_right_arithmetic3A_407 = arith.constant 7 : i32
        %shift_right_arithmetic3A_408 = vector.broadcast %shift_right_arithmetic3A_407 : i32 to vector<16xi32>
        %shift_right_arithmetic3A_409 = arith.shrsi %get3A_324, %shift_right_arithmetic3A_408 : vector<16xi32>
        %and3A_410 = arith.constant 127 : i32
        %and3A_411 = vector.broadcast %and3A_410 : i32 to vector<16xi32>
        %and3A_412 = arith.andi %get3A_324, %and3A_411 : vector<16xi32>
        tpu.vector_store_idx %arg7[%shift_right_arithmetic3A_409, %and3A_412], %broadcast_in_dim3A_10 {add = true} : memref<800x128xi32, #tpu.memory_space<vmem>>[vector<16xi32>, vector<16xi32>], vector<16xi32>,
        %shift_right_arithmetic3A_413 = arith.constant 7 : i32
        %shift_right_arithmetic3A_414 = vector.broadcast %shift_right_arithmetic3A_413 : i32 to vector<16xi32>
        %shift_right_arithmetic3A_415 = arith.shrsi %get3A_329, %shift_right_arithmetic3A_414 : vector<16xi32>
        %and3A_416 = arith.constant 127 : i32
        %and3A_417 = vector.broadcast %and3A_416 : i32 to vector<16xi32>
        %and3A_418 = arith.andi %get3A_329, %and3A_417 : vector<16xi32>
        tpu.vector_store_idx %arg7[%shift_right_arithmetic3A_415, %and3A_418], %broadcast_in_dim3A_10 {add = true} : memref<800x128xi32, #tpu.memory_space<vmem>>[vector<16xi32>, vector<16xi32>], vector<16xi32>,
        %shift_right_arithmetic3A_419 = arith.constant 7 : i32
        %shift_right_arithmetic3A_420 = vector.broadcast %shift_right_arithmetic3A_419 : i32 to vector<16xi32>
        %shift_right_arithmetic3A_421 = arith.shrsi %get3A_334, %shift_right_arithmetic3A_420 : vector<16xi32>
        %and3A_422 = arith.constant 127 : i32
        %and3A_423 = vector.broadcast %and3A_422 : i32 to vector<16xi32>
        %and3A_424 = arith.andi %get3A_334, %and3A_423 : vector<16xi32>
        tpu.vector_store_idx %arg7[%shift_right_arithmetic3A_421, %and3A_424], %broadcast_in_dim3A_10 {add = true} : memref<800x128xi32, #tpu.memory_space<vmem>>[vector<16xi32>, vector<16xi32>], vector<16xi32>,
        %shift_right_arithmetic3A_425 = arith.constant 7 : i32
        %shift_right_arithmetic3A_426 = vector.broadcast %shift_right_arithmetic3A_425 : i32 to vector<16xi32>
        %shift_right_arithmetic3A_427 = arith.shrsi %get3A_339, %shift_right_arithmetic3A_426 : vector<16xi32>
        %and3A_428 = arith.constant 127 : i32
        %and3A_429 = vector.broadcast %and3A_428 : i32 to vector<16xi32>
        %and3A_430 = arith.andi %get3A_339, %and3A_429 : vector<16xi32>
        tpu.vector_store_idx %arg7[%shift_right_arithmetic3A_427, %and3A_430], %broadcast_in_dim3A_10 {add = true} : memref<800x128xi32, #tpu.memory_space<vmem>>[vector<16xi32>, vector<16xi32>], vector<16xi32>,
        %shift_right_arithmetic3A_431 = arith.constant 7 : i32
        %shift_right_arithmetic3A_432 = vector.broadcast %shift_right_arithmetic3A_431 : i32 to vector<16xi32>
        %shift_right_arithmetic3A_433 = arith.shrsi %get3A_344, %shift_right_arithmetic3A_432 : vector<16xi32>
        %and3A_434 = arith.constant 127 : i32
        %and3A_435 = vector.broadcast %and3A_434 : i32 to vector<16xi32>
        %and3A_436 = arith.andi %get3A_344, %and3A_435 : vector<16xi32>
        tpu.vector_store_idx %arg7[%shift_right_arithmetic3A_433, %and3A_436], %broadcast_in_dim3A_10 {add = true} : memref<800x128xi32, #tpu.memory_space<vmem>>[vector<16xi32>, vector<16xi32>], vector<16xi32>,
        %shift_right_arithmetic3A_437 = arith.constant 7 : i32
        %shift_right_arithmetic3A_438 = vector.broadcast %shift_right_arithmetic3A_437 : i32 to vector<16xi32>
        %shift_right_arithmetic3A_439 = arith.shrsi %get3A_349, %shift_right_arithmetic3A_438 : vector<16xi32>
        %and3A_440 = arith.constant 127 : i32
        %and3A_441 = vector.broadcast %and3A_440 : i32 to vector<16xi32>
        %and3A_442 = arith.andi %get3A_349, %and3A_441 : vector<16xi32>
        tpu.vector_store_idx %arg7[%shift_right_arithmetic3A_439, %and3A_442], %broadcast_in_dim3A_10 {add = true} : memref<800x128xi32, #tpu.memory_space<vmem>>[vector<16xi32>, vector<16xi32>], vector<16xi32>,
        %shift_right_arithmetic3A_443 = arith.constant 7 : i32
        %shift_right_arithmetic3A_444 = vector.broadcast %shift_right_arithmetic3A_443 : i32 to vector<16xi32>
        %shift_right_arithmetic3A_445 = arith.shrsi %get3A_354, %shift_right_arithmetic3A_444 : vector<16xi32>
        %and3A_446 = arith.constant 127 : i32
        %and3A_447 = vector.broadcast %and3A_446 : i32 to vector<16xi32>
        %and3A_448 = arith.andi %get3A_354, %and3A_447 : vector<16xi32>
        tpu.vector_store_idx %arg7[%shift_right_arithmetic3A_445, %and3A_448], %broadcast_in_dim3A_10 {add = true} : memref<800x128xi32, #tpu.memory_space<vmem>>[vector<16xi32>, vector<16xi32>], vector<16xi32>,
        %shift_right_arithmetic3A_449 = arith.constant 7 : i32
        %shift_right_arithmetic3A_450 = vector.broadcast %shift_right_arithmetic3A_449 : i32 to vector<16xi32>
        %shift_right_arithmetic3A_451 = arith.shrsi %get3A_359, %shift_right_arithmetic3A_450 : vector<16xi32>
        %and3A_452 = arith.constant 127 : i32
        %and3A_453 = vector.broadcast %and3A_452 : i32 to vector<16xi32>
        %and3A_454 = arith.andi %get3A_359, %and3A_453 : vector<16xi32>
        tpu.vector_store_idx %arg7[%shift_right_arithmetic3A_451, %and3A_454], %broadcast_in_dim3A_10 {add = true} : memref<800x128xi32, #tpu.memory_space<vmem>>[vector<16xi32>, vector<16xi32>], vector<16xi32>,
      }
      %scan3A_230 = arith.constant 32 : i32
      %add3A_231 = arith.constant 3 : i32
      %add3A_232 = arith.addi %add3A_177, %add3A_231 : i32
      %lt3A_233 = arith.constant 32 : i32
      %lt3A_234 = arith.cmpi slt, %add3A_232, %lt3A_233 : i32
      %convert_element_type3A_235 = arith.extui %lt3A_234 : i1 to i32
      %cond3A_236 = arith.constant 0 : i32
      %cond3A_237 = arith.cmpi ne, %convert_element_type3A_235, %cond3A_236 : i32
      scf.if %cond3A_237 {
        %add3A_238 = arith.constant 3 : i32
        %add3A_239 = arith.addi %add3A_177, %add3A_238 : i32
        %jit3A_240 = arith.constant 2 : i32
        %div3A_241 = arith.divsi %add3A_239, %jit3A_240 : i32
        %sign3A_242 = arith.constant 0 : i32
        %sign3A_243 = arith.cmpi sgt, %add3A_239, %sign3A_242 : i32
        %sign3A_244 = arith.extui %sign3A_243 : i1 to i32
        %sign3A_245 = arith.constant 0 : i32
        %sign3A_246 = arith.cmpi slt, %add3A_239, %sign3A_245 : i32
        %sign3A_247 = arith.extui %sign3A_246 : i1 to i32
        %sign3A_248 = arith.subi %sign3A_244, %sign3A_247 : i32
        %sign3A_249 = arith.constant 0 : i32
        %sign3A_250 = arith.cmpi sgt, %jit3A_240, %sign3A_249 : i32
        %sign3A_251 = arith.extui %sign3A_250 : i1 to i32
        %sign3A_252 = arith.constant 0 : i32
        %sign3A_253 = arith.cmpi slt, %jit3A_240, %sign3A_252 : i32
        %sign3A_254 = arith.extui %sign3A_253 : i1 to i32
        %sign3A_255 = arith.subi %sign3A_251, %sign3A_254 : i32
        %ne3A_256 = arith.cmpi ne, %sign3A_248, %sign3A_255 : i32
        %rem3A_257 = arith.remsi %add3A_239, %jit3A_240 : i32
        %ne3A_258 = arith.constant 0 : i32
        %ne3A_259 = arith.cmpi ne, %rem3A_257, %ne3A_258 : i32
        %and3A_260 = arith.andi %ne3A_256, %ne3A_259 : i1
        %sub3A_261 = arith.constant 1 : i32
        %sub3A_262 = arith.subi %div3A_241, %sub3A_261 : i32
        %select_n3A_263 = arith.select %and3A_260, %sub3A_262, %div3A_241 : i32
        %mul3A_264 = arith.constant 8 : i32
        %mul3A_265 = arith.muli %select_n3A_263, %mul3A_264 : i32
        %add3A_266 = arith.addi %mul3A_2, %mul3A_265 : i32
        %jit3A_267 = arith.constant 2 : i32
        %eq3A_268 = arith.constant 0 : i32
        %eq3A_269 = arith.cmpi eq, %jit3A_267, %eq3A_268 : i32
        %jit3A_270 = arith.constant 1 : i32
        %select_n3A_271 = arith.select %eq3A_269, %jit3A_270, %jit3A_267 : i32
        %rem3A_272 = arith.remsi %add3A_239, %select_n3A_271 : i32
        %ne3A_273 = arith.constant 0 : i32
        %ne3A_274 = arith.cmpi ne, %rem3A_272, %ne3A_273 : i32
        %lt3A_275 = arith.constant 0 : i32
        %lt3A_276 = arith.cmpi slt, %rem3A_272, %lt3A_275 : i32
        %lt3A_277 = arith.constant 0 : i32
        %lt3A_278 = arith.cmpi slt, %select_n3A_271, %lt3A_277 : i32
        %ne3A_279 = arith.xori %lt3A_276, %lt3A_278 : i1
        %and3A_280 = arith.andi %ne3A_279, %ne3A_274 : i1
        %add3A_281 = arith.addi %rem3A_272, %select_n3A_271 : i32
        %select_n3A_282 = arith.select %and3A_280, %add3A_281, %rem3A_272 : i32
        %mul3A_283 = arith.constant 1024 : i32
        %mul3A_284 = arith.muli %select_n3A_282, %mul3A_283 : i32
        %dma_start3A_285 = tpu.memref_slice %arg2[%add3A_266, %mul3A_284] : memref<4096x2048xi32, #tpu.memory_space<hbm>> -> memref<8x1024xi32, #tpu.memory_space<hbm>>
        %dma_start3A_286 = tpu.memref_slice %arg2[%add3A_266, %mul3A_284] : memref<4096x2048xi32, #tpu.memory_space<hbm>> -> memref<8x1024xi32, #tpu.memory_space<hbm>>
        tpu.enqueue_dma source(%dma_start3A_286 : memref<8x1024xi32, #tpu.memory_space<hbm>>) target(%arg6 : memref<8x1024xi32, #tpu.memory_space<vmem>>) target_semaphore(%arg10 : memref<!tpu.dma_semaphore, #tpu.memory_space<semaphore_mem>>)
      } else {
      }
    }
    %scan3A_33 = arith.constant 10 : i32
    %add3A_34 = arith.constant 120 : i32
    %add3A_35 = arith.addi %mul3A_2, %add3A_34 : i32
    %dma_wait3A = arith.constant 0 : i32
    %dma_wait3A_36 = tpu.memref_slice %arg2[%add3A_35, %dma_wait3A] : memref<4096x2048xi32, #tpu.memory_space<hbm>> -> memref<8x1024xi32, #tpu.memory_space<hbm>>
    %dma_wait3A_37 = arith.constant 0 : i32
    %dma_wait3A_38 = tpu.memref_slice %arg2[%add3A_35, %dma_wait3A_37] : memref<4096x2048xi32, #tpu.memory_space<hbm>> -> memref<8x1024xi32, #tpu.memory_space<hbm>>
    tpu.wait_dma2 semaphore(%arg8 : memref<!tpu.dma_semaphore, #tpu.memory_space<semaphore_mem>>) src(%dma_wait3A_38 : memref<8x1024xi32, #tpu.memory_space<hbm>>) dst(%arg4 : memref<8x1024xi32, #tpu.memory_space<vmem>>)
    %scan3A_39 = arith.constant 0 : i32
    %scan3A_40 = arith.constant 0 : i32
    %scan3A_41 = arith.constant 32 : i32
    %scan3A_42 = arith.addi %scan3A_40, %scan3A_41 : i32
    %scan3A_43 = arith.constant 1 : i32
    scf.for %scan3A_57 = %scan3A_40 to %scan3A_42 step %scan3A_43  : i32 {
      %jit3A = arith.constant 4 : i32
      %div3A = arith.divsi %scan3A_57, %jit3A : i32
      %sign3A = arith.constant 0 : i32
      %sign3A_58 = arith.cmpi sgt, %scan3A_57, %sign3A : i32
      %sign3A_59 = arith.extui %sign3A_58 : i1 to i32
      %sign3A_60 = arith.constant 0 : i32
      %sign3A_61 = arith.cmpi slt, %scan3A_57, %sign3A_60 : i32
      %sign3A_62 = arith.extui %sign3A_61 : i1 to i32
      %sign3A_63 = arith.subi %sign3A_59, %sign3A_62 : i32
      %sign3A_64 = arith.constant 0 : i32
      %sign3A_65 = arith.cmpi sgt, %jit3A, %sign3A_64 : i32
      %sign3A_66 = arith.extui %sign3A_65 : i1 to i32
      %sign3A_67 = arith.constant 0 : i32
      %sign3A_68 = arith.cmpi slt, %jit3A, %sign3A_67 : i32
      %sign3A_69 = arith.extui %sign3A_68 : i1 to i32
      %sign3A_70 = arith.subi %sign3A_66, %sign3A_69 : i32
      %ne3A = arith.cmpi ne, %sign3A_63, %sign3A_70 : i32
      %rem3A = arith.remsi %scan3A_57, %jit3A : i32
      %ne3A_71 = arith.constant 0 : i32
      %ne3A_72 = arith.cmpi ne, %rem3A, %ne3A_71 : i32
      %and3A = arith.andi %ne3A, %ne3A_72 : i1
      %sub3A = arith.constant 1 : i32
      %sub3A_73 = arith.subi %div3A, %sub3A : i32
      %select_n3A = arith.select %and3A, %sub3A_73, %div3A : i32
      %jit3A_74 = arith.constant 4 : i32
      %eq3A = arith.constant 0 : i32
      %eq3A_75 = arith.cmpi eq, %jit3A_74, %eq3A : i32
      %jit3A_76 = arith.constant 1 : i32
      %select_n3A_77 = arith.select %eq3A_75, %jit3A_76, %jit3A_74 : i32
      %rem3A_78 = arith.remsi %scan3A_57, %select_n3A_77 : i32
      %ne3A_79 = arith.constant 0 : i32
      %ne3A_80 = arith.cmpi ne, %rem3A_78, %ne3A_79 : i32
      %lt3A = arith.constant 0 : i32
      %lt3A_81 = arith.cmpi slt, %rem3A_78, %lt3A : i32
      %lt3A_82 = arith.constant 0 : i32
      %lt3A_83 = arith.cmpi slt, %select_n3A_77, %lt3A_82 : i32
      %ne3A_84 = arith.xori %lt3A_81, %lt3A_83 : i1
      %and3A_85 = arith.andi %ne3A_84, %ne3A_80 : i1
      %add3A_86 = arith.addi %rem3A_78, %select_n3A_77 : i32
      %select_n3A_87 = arith.select %and3A_85, %add3A_86, %rem3A_78 : i32
      %mul3A_88 = arith.constant 256 : i32
      %mul3A_89 = arith.muli %select_n3A_87, %mul3A_88 : i32
      %add3A_90 = arith.constant 0 : i32
      %add3A_91 = arith.addi %mul3A_89, %add3A_90 : i32
      %get3A = arith.index_cast %select_n3A : i32 to index
      %get3A_92 = arith.index_cast %add3A_91 : i32 to index
      %get3A_93 = tpu.vector_load %arg4[%get3A, %get3A_92] {strides = array<i32>} : memref<8x1024xi32, #tpu.memory_space<vmem>>, vector<16xi32>,
      %add3A_94 = arith.constant 16 : i32
      %add3A_95 = arith.addi %mul3A_89, %add3A_94 : i32
      %get3A_96 = arith.index_cast %select_n3A : i32 to index
      %get3A_97 = arith.index_cast %add3A_95 : i32 to index
      %get3A_98 = tpu.vector_load %arg4[%get3A_96, %get3A_97] {strides = array<i32>} : memref<8x1024xi32, #tpu.memory_space<vmem>>, vector<16xi32>,
      %add3A_99 = arith.constant 32 : i32
      %add3A_100 = arith.addi %mul3A_89, %add3A_99 : i32
      %get3A_101 = arith.index_cast %select_n3A : i32 to index
      %get3A_102 = arith.index_cast %add3A_100 : i32 to index
      %get3A_103 = tpu.vector_load %arg4[%get3A_101, %get3A_102] {strides = array<i32>} : memref<8x1024xi32, #tpu.memory_space<vmem>>, vector<16xi32>,
      %add3A_104 = arith.constant 48 : i32
      %add3A_105 = arith.addi %mul3A_89, %add3A_104 : i32
      %get3A_106 = arith.index_cast %select_n3A : i32 to index
      %get3A_107 = arith.index_cast %add3A_105 : i32 to index
      %get3A_108 = tpu.vector_load %arg4[%get3A_106, %get3A_107] {strides = array<i32>} : memref<8x1024xi32, #tpu.memory_space<vmem>>, vector<16xi32>,
      %add3A_109 = arith.constant 64 : i32
      %add3A_110 = arith.addi %mul3A_89, %add3A_109 : i32
      %get3A_111 = arith.index_cast %select_n3A : i32 to index
      %get3A_112 = arith.index_cast %add3A_110 : i32 to index
      %get3A_113 = tpu.vector_load %arg4[%get3A_111, %get3A_112] {strides = array<i32>} : memref<8x1024xi32, #tpu.memory_space<vmem>>, vector<16xi32>,
      %add3A_114 = arith.constant 80 : i32
      %add3A_115 = arith.addi %mul3A_89, %add3A_114 : i32
      %get3A_116 = arith.index_cast %select_n3A : i32 to index
      %get3A_117 = arith.index_cast %add3A_115 : i32 to index
      %get3A_118 = tpu.vector_load %arg4[%get3A_116, %get3A_117] {strides = array<i32>} : memref<8x1024xi32, #tpu.memory_space<vmem>>, vector<16xi32>,
      %add3A_119 = arith.constant 96 : i32
      %add3A_120 = arith.addi %mul3A_89, %add3A_119 : i32
      %get3A_121 = arith.index_cast %select_n3A : i32 to index
      %get3A_122 = arith.index_cast %add3A_120 : i32 to index
      %get3A_123 = tpu.vector_load %arg4[%get3A_121, %get3A_122] {strides = array<i32>} : memref<8x1024xi32, #tpu.memory_space<vmem>>, vector<16xi32>,
      %add3A_124 = arith.constant 112 : i32
      %add3A_125 = arith.addi %mul3A_89, %add3A_124 : i32
      %get3A_126 = arith.index_cast %select_n3A : i32 to index
      %get3A_127 = arith.index_cast %add3A_125 : i32 to index
      %get3A_128 = tpu.vector_load %arg4[%get3A_126, %get3A_127] {strides = array<i32>} : memref<8x1024xi32, #tpu.memory_space<vmem>>, vector<16xi32>,
      %add3A_129 = arith.constant 128 : i32
      %add3A_130 = arith.addi %mul3A_89, %add3A_129 : i32
      %get3A_131 = arith.index_cast %select_n3A : i32 to index
      %get3A_132 = arith.index_cast %add3A_130 : i32 to index
      %get3A_133 = tpu.vector_load %arg4[%get3A_131, %get3A_132] {strides = array<i32>} : memref<8x1024xi32, #tpu.memory_space<vmem>>, vector<16xi32>,
      %add3A_134 = arith.constant 144 : i32
      %add3A_135 = arith.addi %mul3A_89, %add3A_134 : i32
      %get3A_136 = arith.index_cast %select_n3A : i32 to index
      %get3A_137 = arith.index_cast %add3A_135 : i32 to index
      %get3A_138 = tpu.vector_load %arg4[%get3A_136, %get3A_137] {strides = array<i32>} : memref<8x1024xi32, #tpu.memory_space<vmem>>, vector<16xi32>,
      %add3A_139 = arith.constant 160 : i32
      %add3A_140 = arith.addi %mul3A_89, %add3A_139 : i32
      %get3A_141 = arith.index_cast %select_n3A : i32 to index
      %get3A_142 = arith.index_cast %add3A_140 : i32 to index
      %get3A_143 = tpu.vector_load %arg4[%get3A_141, %get3A_142] {strides = array<i32>} : memref<8x1024xi32, #tpu.memory_space<vmem>>, vector<16xi32>,
      %add3A_144 = arith.constant 176 : i32
      %add3A_145 = arith.addi %mul3A_89, %add3A_144 : i32
      %get3A_146 = arith.index_cast %select_n3A : i32 to index
      %get3A_147 = arith.index_cast %add3A_145 : i32 to index
      %get3A_148 = tpu.vector_load %arg4[%get3A_146, %get3A_147] {strides = array<i32>} : memref<8x1024xi32, #tpu.memory_space<vmem>>, vector<16xi32>,
      %add3A_149 = arith.constant 192 : i32
      %add3A_150 = arith.addi %mul3A_89, %add3A_149 : i32
      %get3A_151 = arith.index_cast %select_n3A : i32 to index
      %get3A_152 = arith.index_cast %add3A_150 : i32 to index
      %get3A_153 = tpu.vector_load %arg4[%get3A_151, %get3A_152] {strides = array<i32>} : memref<8x1024xi32, #tpu.memory_space<vmem>>, vector<16xi32>,
      %add3A_154 = arith.constant 208 : i32
      %add3A_155 = arith.addi %mul3A_89, %add3A_154 : i32
      %get3A_156 = arith.index_cast %select_n3A : i32 to index
      %get3A_157 = arith.index_cast %add3A_155 : i32 to index
      %get3A_158 = tpu.vector_load %arg4[%get3A_156, %get3A_157] {strides = array<i32>} : memref<8x1024xi32, #tpu.memory_space<vmem>>, vector<16xi32>,
      %add3A_159 = arith.constant 224 : i32
      %add3A_160 = arith.addi %mul3A_89, %add3A_159 : i32
      %get3A_161 = arith.index_cast %select_n3A : i32 to index
      %get3A_162 = arith.index_cast %add3A_160 : i32 to index
      %get3A_163 = tpu.vector_load %arg4[%get3A_161, %get3A_162] {strides = array<i32>} : memref<8x1024xi32, #tpu.memory_space<vmem>>, vector<16xi32>,
      %add3A_164 = arith.constant 240 : i32
      %add3A_165 = arith.addi %mul3A_89, %add3A_164 : i32
      %get3A_166 = arith.index_cast %select_n3A : i32 to index
      %get3A_167 = arith.index_cast %add3A_165 : i32 to index
      %get3A_168 = tpu.vector_load %arg4[%get3A_166, %get3A_167] {strides = array<i32>} : memref<8x1024xi32, #tpu.memory_space<vmem>>, vector<16xi32>,
      %shift_right_arithmetic3A = arith.constant 7 : i32
      %shift_right_arithmetic3A_169 = vector.broadcast %shift_right_arithmetic3A : i32 to vector<16xi32>
      %shift_right_arithmetic3A_170 = arith.shrsi %get3A_93, %shift_right_arithmetic3A_169 : vector<16xi32>
      %and3A_171 = arith.constant 127 : i32
      %and3A_172 = vector.broadcast %and3A_171 : i32 to vector<16xi32>
      %and3A_173 = arith.andi %get3A_93, %and3A_172 : vector<16xi32>
      tpu.vector_store_idx %arg7[%shift_right_arithmetic3A_170, %and3A_173], %broadcast_in_dim3A_10 {add = true} : memref<800x128xi32, #tpu.memory_space<vmem>>[vector<16xi32>, vector<16xi32>], vector<16xi32>,
      %shift_right_arithmetic3A_174 = arith.constant 7 : i32
      %shift_right_arithmetic3A_175 = vector.broadcast %shift_right_arithmetic3A_174 : i32 to vector<16xi32>
      %shift_right_arithmetic3A_176 = arith.shrsi %get3A_98, %shift_right_arithmetic3A_175 : vector<16xi32>
      %and3A_177 = arith.constant 127 : i32
      %and3A_178 = vector.broadcast %and3A_177 : i32 to vector<16xi32>
      %and3A_179 = arith.andi %get3A_98, %and3A_178 : vector<16xi32>
      tpu.vector_store_idx %arg7[%shift_right_arithmetic3A_176, %and3A_179], %broadcast_in_dim3A_10 {add = true} : memref<800x128xi32, #tpu.memory_space<vmem>>[vector<16xi32>, vector<16xi32>], vector<16xi32>,
      %shift_right_arithmetic3A_180 = arith.constant 7 : i32
      %shift_right_arithmetic3A_181 = vector.broadcast %shift_right_arithmetic3A_180 : i32 to vector<16xi32>
      %shift_right_arithmetic3A_182 = arith.shrsi %get3A_103, %shift_right_arithmetic3A_181 : vector<16xi32>
      %and3A_183 = arith.constant 127 : i32
      %and3A_184 = vector.broadcast %and3A_183 : i32 to vector<16xi32>
      %and3A_185 = arith.andi %get3A_103, %and3A_184 : vector<16xi32>
      tpu.vector_store_idx %arg7[%shift_right_arithmetic3A_182, %and3A_185], %broadcast_in_dim3A_10 {add = true} : memref<800x128xi32, #tpu.memory_space<vmem>>[vector<16xi32>, vector<16xi32>], vector<16xi32>,
      %shift_right_arithmetic3A_186 = arith.constant 7 : i32
      %shift_right_arithmetic3A_187 = vector.broadcast %shift_right_arithmetic3A_186 : i32 to vector<16xi32>
      %shift_right_arithmetic3A_188 = arith.shrsi %get3A_108, %shift_right_arithmetic3A_187 : vector<16xi32>
      %and3A_189 = arith.constant 127 : i32
      %and3A_190 = vector.broadcast %and3A_189 : i32 to vector<16xi32>
      %and3A_191 = arith.andi %get3A_108, %and3A_190 : vector<16xi32>
      tpu.vector_store_idx %arg7[%shift_right_arithmetic3A_188, %and3A_191], %broadcast_in_dim3A_10 {add = true} : memref<800x128xi32, #tpu.memory_space<vmem>>[vector<16xi32>, vector<16xi32>], vector<16xi32>,
      %shift_right_arithmetic3A_192 = arith.constant 7 : i32
      %shift_right_arithmetic3A_193 = vector.broadcast %shift_right_arithmetic3A_192 : i32 to vector<16xi32>
      %shift_right_arithmetic3A_194 = arith.shrsi %get3A_113, %shift_right_arithmetic3A_193 : vector<16xi32>
      %and3A_195 = arith.constant 127 : i32
      %and3A_196 = vector.broadcast %and3A_195 : i32 to vector<16xi32>
      %and3A_197 = arith.andi %get3A_113, %and3A_196 : vector<16xi32>
      tpu.vector_store_idx %arg7[%shift_right_arithmetic3A_194, %and3A_197], %broadcast_in_dim3A_10 {add = true} : memref<800x128xi32, #tpu.memory_space<vmem>>[vector<16xi32>, vector<16xi32>], vector<16xi32>,
      %shift_right_arithmetic3A_198 = arith.constant 7 : i32
      %shift_right_arithmetic3A_199 = vector.broadcast %shift_right_arithmetic3A_198 : i32 to vector<16xi32>
      %shift_right_arithmetic3A_200 = arith.shrsi %get3A_118, %shift_right_arithmetic3A_199 : vector<16xi32>
      %and3A_201 = arith.constant 127 : i32
      %and3A_202 = vector.broadcast %and3A_201 : i32 to vector<16xi32>
      %and3A_203 = arith.andi %get3A_118, %and3A_202 : vector<16xi32>
      tpu.vector_store_idx %arg7[%shift_right_arithmetic3A_200, %and3A_203], %broadcast_in_dim3A_10 {add = true} : memref<800x128xi32, #tpu.memory_space<vmem>>[vector<16xi32>, vector<16xi32>], vector<16xi32>,
      %shift_right_arithmetic3A_204 = arith.constant 7 : i32
      %shift_right_arithmetic3A_205 = vector.broadcast %shift_right_arithmetic3A_204 : i32 to vector<16xi32>
      %shift_right_arithmetic3A_206 = arith.shrsi %get3A_123, %shift_right_arithmetic3A_205 : vector<16xi32>
      %and3A_207 = arith.constant 127 : i32
      %and3A_208 = vector.broadcast %and3A_207 : i32 to vector<16xi32>
      %and3A_209 = arith.andi %get3A_123, %and3A_208 : vector<16xi32>
      tpu.vector_store_idx %arg7[%shift_right_arithmetic3A_206, %and3A_209], %broadcast_in_dim3A_10 {add = true} : memref<800x128xi32, #tpu.memory_space<vmem>>[vector<16xi32>, vector<16xi32>], vector<16xi32>,
      %shift_right_arithmetic3A_210 = arith.constant 7 : i32
      %shift_right_arithmetic3A_211 = vector.broadcast %shift_right_arithmetic3A_210 : i32 to vector<16xi32>
      %shift_right_arithmetic3A_212 = arith.shrsi %get3A_128, %shift_right_arithmetic3A_211 : vector<16xi32>
      %and3A_213 = arith.constant 127 : i32
      %and3A_214 = vector.broadcast %and3A_213 : i32 to vector<16xi32>
      %and3A_215 = arith.andi %get3A_128, %and3A_214 : vector<16xi32>
      tpu.vector_store_idx %arg7[%shift_right_arithmetic3A_212, %and3A_215], %broadcast_in_dim3A_10 {add = true} : memref<800x128xi32, #tpu.memory_space<vmem>>[vector<16xi32>, vector<16xi32>], vector<16xi32>,
      %shift_right_arithmetic3A_216 = arith.constant 7 : i32
      %shift_right_arithmetic3A_217 = vector.broadcast %shift_right_arithmetic3A_216 : i32 to vector<16xi32>
      %shift_right_arithmetic3A_218 = arith.shrsi %get3A_133, %shift_right_arithmetic3A_217 : vector<16xi32>
      %and3A_219 = arith.constant 127 : i32
      %and3A_220 = vector.broadcast %and3A_219 : i32 to vector<16xi32>
      %and3A_221 = arith.andi %get3A_133, %and3A_220 : vector<16xi32>
      tpu.vector_store_idx %arg7[%shift_right_arithmetic3A_218, %and3A_221], %broadcast_in_dim3A_10 {add = true} : memref<800x128xi32, #tpu.memory_space<vmem>>[vector<16xi32>, vector<16xi32>], vector<16xi32>,
      %shift_right_arithmetic3A_222 = arith.constant 7 : i32
      %shift_right_arithmetic3A_223 = vector.broadcast %shift_right_arithmetic3A_222 : i32 to vector<16xi32>
      %shift_right_arithmetic3A_224 = arith.shrsi %get3A_138, %shift_right_arithmetic3A_223 : vector<16xi32>
      %and3A_225 = arith.constant 127 : i32
      %and3A_226 = vector.broadcast %and3A_225 : i32 to vector<16xi32>
      %and3A_227 = arith.andi %get3A_138, %and3A_226 : vector<16xi32>
      tpu.vector_store_idx %arg7[%shift_right_arithmetic3A_224, %and3A_227], %broadcast_in_dim3A_10 {add = true} : memref<800x128xi32, #tpu.memory_space<vmem>>[vector<16xi32>, vector<16xi32>], vector<16xi32>,
      %shift_right_arithmetic3A_228 = arith.constant 7 : i32
      %shift_right_arithmetic3A_229 = vector.broadcast %shift_right_arithmetic3A_228 : i32 to vector<16xi32>
      %shift_right_arithmetic3A_230 = arith.shrsi %get3A_143, %shift_right_arithmetic3A_229 : vector<16xi32>
      %and3A_231 = arith.constant 127 : i32
      %and3A_232 = vector.broadcast %and3A_231 : i32 to vector<16xi32>
      %and3A_233 = arith.andi %get3A_143, %and3A_232 : vector<16xi32>
      tpu.vector_store_idx %arg7[%shift_right_arithmetic3A_230, %and3A_233], %broadcast_in_dim3A_10 {add = true} : memref<800x128xi32, #tpu.memory_space<vmem>>[vector<16xi32>, vector<16xi32>], vector<16xi32>,
      %shift_right_arithmetic3A_234 = arith.constant 7 : i32
      %shift_right_arithmetic3A_235 = vector.broadcast %shift_right_arithmetic3A_234 : i32 to vector<16xi32>
      %shift_right_arithmetic3A_236 = arith.shrsi %get3A_148, %shift_right_arithmetic3A_235 : vector<16xi32>
      %and3A_237 = arith.constant 127 : i32
      %and3A_238 = vector.broadcast %and3A_237 : i32 to vector<16xi32>
      %and3A_239 = arith.andi %get3A_148, %and3A_238 : vector<16xi32>
      tpu.vector_store_idx %arg7[%shift_right_arithmetic3A_236, %and3A_239], %broadcast_in_dim3A_10 {add = true} : memref<800x128xi32, #tpu.memory_space<vmem>>[vector<16xi32>, vector<16xi32>], vector<16xi32>,
      %shift_right_arithmetic3A_240 = arith.constant 7 : i32
      %shift_right_arithmetic3A_241 = vector.broadcast %shift_right_arithmetic3A_240 : i32 to vector<16xi32>
      %shift_right_arithmetic3A_242 = arith.shrsi %get3A_153, %shift_right_arithmetic3A_241 : vector<16xi32>
      %and3A_243 = arith.constant 127 : i32
      %and3A_244 = vector.broadcast %and3A_243 : i32 to vector<16xi32>
      %and3A_245 = arith.andi %get3A_153, %and3A_244 : vector<16xi32>
      tpu.vector_store_idx %arg7[%shift_right_arithmetic3A_242, %and3A_245], %broadcast_in_dim3A_10 {add = true} : memref<800x128xi32, #tpu.memory_space<vmem>>[vector<16xi32>, vector<16xi32>], vector<16xi32>,
      %shift_right_arithmetic3A_246 = arith.constant 7 : i32
      %shift_right_arithmetic3A_247 = vector.broadcast %shift_right_arithmetic3A_246 : i32 to vector<16xi32>
      %shift_right_arithmetic3A_248 = arith.shrsi %get3A_158, %shift_right_arithmetic3A_247 : vector<16xi32>
      %and3A_249 = arith.constant 127 : i32
      %and3A_250 = vector.broadcast %and3A_249 : i32 to vector<16xi32>
      %and3A_251 = arith.andi %get3A_158, %and3A_250 : vector<16xi32>
      tpu.vector_store_idx %arg7[%shift_right_arithmetic3A_248, %and3A_251], %broadcast_in_dim3A_10 {add = true} : memref<800x128xi32, #tpu.memory_space<vmem>>[vector<16xi32>, vector<16xi32>], vector<16xi32>,
      %shift_right_arithmetic3A_252 = arith.constant 7 : i32
      %shift_right_arithmetic3A_253 = vector.broadcast %shift_right_arithmetic3A_252 : i32 to vector<16xi32>
      %shift_right_arithmetic3A_254 = arith.shrsi %get3A_163, %shift_right_arithmetic3A_253 : vector<16xi32>
      %and3A_255 = arith.constant 127 : i32
      %and3A_256 = vector.broadcast %and3A_255 : i32 to vector<16xi32>
      %and3A_257 = arith.andi %get3A_163, %and3A_256 : vector<16xi32>
      tpu.vector_store_idx %arg7[%shift_right_arithmetic3A_254, %and3A_257], %broadcast_in_dim3A_10 {add = true} : memref<800x128xi32, #tpu.memory_space<vmem>>[vector<16xi32>, vector<16xi32>], vector<16xi32>,
      %shift_right_arithmetic3A_258 = arith.constant 7 : i32
      %shift_right_arithmetic3A_259 = vector.broadcast %shift_right_arithmetic3A_258 : i32 to vector<16xi32>
      %shift_right_arithmetic3A_260 = arith.shrsi %get3A_168, %shift_right_arithmetic3A_259 : vector<16xi32>
      %and3A_261 = arith.constant 127 : i32
      %and3A_262 = vector.broadcast %and3A_261 : i32 to vector<16xi32>
      %and3A_263 = arith.andi %get3A_168, %and3A_262 : vector<16xi32>
      tpu.vector_store_idx %arg7[%shift_right_arithmetic3A_260, %and3A_263], %broadcast_in_dim3A_10 {add = true} : memref<800x128xi32, #tpu.memory_space<vmem>>[vector<16xi32>, vector<16xi32>], vector<16xi32>,
    }
    %scan3A_44 = arith.constant 32 : i32
    %add3A_45 = arith.constant 120 : i32
    %add3A_46 = arith.addi %mul3A_2, %add3A_45 : i32
    %dma_wait3A_47 = arith.constant 1024 : i32
    %dma_wait3A_48 = tpu.memref_slice %arg2[%add3A_46, %dma_wait3A_47] : memref<4096x2048xi32, #tpu.memory_space<hbm>> -> memref<8x1024xi32, #tpu.memory_space<hbm>>
    %dma_wait3A_49 = arith.constant 1024 : i32
    %dma_wait3A_50 = tpu.memref_slice %arg2[%add3A_46, %dma_wait3A_49] : memref<4096x2048xi32, #tpu.memory_space<hbm>> -> memref<8x1024xi32, #tpu.memory_space<hbm>>
    tpu.wait_dma2 semaphore(%arg9 : memref<!tpu.dma_semaphore, #tpu.memory_space<semaphore_mem>>) src(%dma_wait3A_50 : memref<8x1024xi32, #tpu.memory_space<hbm>>) dst(%arg5 : memref<8x1024xi32, #tpu.memory_space<vmem>>)
    %scan3A_51 = arith.constant 0 : i32
    %scan3A_52 = arith.constant 0 : i32
    %scan3A_53 = arith.constant 32 : i32
    %scan3A_54 = arith.addi %scan3A_52, %scan3A_53 : i32
    %scan3A_55 = arith.constant 1 : i32
    scf.for %scan3A_57 = %scan3A_52 to %scan3A_54 step %scan3A_55  : i32 {
      %jit3A = arith.constant 4 : i32
      %div3A = arith.divsi %scan3A_57, %jit3A : i32
      %sign3A = arith.constant 0 : i32
      %sign3A_58 = arith.cmpi sgt, %scan3A_57, %sign3A : i32
      %sign3A_59 = arith.extui %sign3A_58 : i1 to i32
      %sign3A_60 = arith.constant 0 : i32
      %sign3A_61 = arith.cmpi slt, %scan3A_57, %sign3A_60 : i32
      %sign3A_62 = arith.extui %sign3A_61 : i1 to i32
      %sign3A_63 = arith.subi %sign3A_59, %sign3A_62 : i32
      %sign3A_64 = arith.constant 0 : i32
      %sign3A_65 = arith.cmpi sgt, %jit3A, %sign3A_64 : i32
      %sign3A_66 = arith.extui %sign3A_65 : i1 to i32
      %sign3A_67 = arith.constant 0 : i32
      %sign3A_68 = arith.cmpi slt, %jit3A, %sign3A_67 : i32
      %sign3A_69 = arith.extui %sign3A_68 : i1 to i32
      %sign3A_70 = arith.subi %sign3A_66, %sign3A_69 : i32
      %ne3A = arith.cmpi ne, %sign3A_63, %sign3A_70 : i32
      %rem3A = arith.remsi %scan3A_57, %jit3A : i32
      %ne3A_71 = arith.constant 0 : i32
      %ne3A_72 = arith.cmpi ne, %rem3A, %ne3A_71 : i32
      %and3A = arith.andi %ne3A, %ne3A_72 : i1
      %sub3A = arith.constant 1 : i32
      %sub3A_73 = arith.subi %div3A, %sub3A : i32
      %select_n3A = arith.select %and3A, %sub3A_73, %div3A : i32
      %jit3A_74 = arith.constant 4 : i32
      %eq3A = arith.constant 0 : i32
      %eq3A_75 = arith.cmpi eq, %jit3A_74, %eq3A : i32
      %jit3A_76 = arith.constant 1 : i32
      %select_n3A_77 = arith.select %eq3A_75, %jit3A_76, %jit3A_74 : i32
      %rem3A_78 = arith.remsi %scan3A_57, %select_n3A_77 : i32
      %ne3A_79 = arith.constant 0 : i32
      %ne3A_80 = arith.cmpi ne, %rem3A_78, %ne3A_79 : i32
      %lt3A = arith.constant 0 : i32
      %lt3A_81 = arith.cmpi slt, %rem3A_78, %lt3A : i32
      %lt3A_82 = arith.constant 0 : i32
      %lt3A_83 = arith.cmpi slt, %select_n3A_77, %lt3A_82 : i32
      %ne3A_84 = arith.xori %lt3A_81, %lt3A_83 : i1
      %and3A_85 = arith.andi %ne3A_84, %ne3A_80 : i1
      %add3A_86 = arith.addi %rem3A_78, %select_n3A_77 : i32
      %select_n3A_87 = arith.select %and3A_85, %add3A_86, %rem3A_78 : i32
      %mul3A_88 = arith.constant 256 : i32
      %mul3A_89 = arith.muli %select_n3A_87, %mul3A_88 : i32
      %add3A_90 = arith.constant 0 : i32
      %add3A_91 = arith.addi %mul3A_89, %add3A_90 : i32
      %get3A = arith.index_cast %select_n3A : i32 to index
      %get3A_92 = arith.index_cast %add3A_91 : i32 to index
      %get3A_93 = tpu.vector_load %arg5[%get3A, %get3A_92] {strides = array<i32>} : memref<8x1024xi32, #tpu.memory_space<vmem>>, vector<16xi32>,
      %add3A_94 = arith.constant 16 : i32
      %add3A_95 = arith.addi %mul3A_89, %add3A_94 : i32
      %get3A_96 = arith.index_cast %select_n3A : i32 to index
      %get3A_97 = arith.index_cast %add3A_95 : i32 to index
      %get3A_98 = tpu.vector_load %arg5[%get3A_96, %get3A_97] {strides = array<i32>} : memref<8x1024xi32, #tpu.memory_space<vmem>>, vector<16xi32>,
      %add3A_99 = arith.constant 32 : i32
      %add3A_100 = arith.addi %mul3A_89, %add3A_99 : i32
      %get3A_101 = arith.index_cast %select_n3A : i32 to index
      %get3A_102 = arith.index_cast %add3A_100 : i32 to index
      %get3A_103 = tpu.vector_load %arg5[%get3A_101, %get3A_102] {strides = array<i32>} : memref<8x1024xi32, #tpu.memory_space<vmem>>, vector<16xi32>,
      %add3A_104 = arith.constant 48 : i32
      %add3A_105 = arith.addi %mul3A_89, %add3A_104 : i32
      %get3A_106 = arith.index_cast %select_n3A : i32 to index
      %get3A_107 = arith.index_cast %add3A_105 : i32 to index
      %get3A_108 = tpu.vector_load %arg5[%get3A_106, %get3A_107] {strides = array<i32>} : memref<8x1024xi32, #tpu.memory_space<vmem>>, vector<16xi32>,
      %add3A_109 = arith.constant 64 : i32
      %add3A_110 = arith.addi %mul3A_89, %add3A_109 : i32
      %get3A_111 = arith.index_cast %select_n3A : i32 to index
      %get3A_112 = arith.index_cast %add3A_110 : i32 to index
      %get3A_113 = tpu.vector_load %arg5[%get3A_111, %get3A_112] {strides = array<i32>} : memref<8x1024xi32, #tpu.memory_space<vmem>>, vector<16xi32>,
      %add3A_114 = arith.constant 80 : i32
      %add3A_115 = arith.addi %mul3A_89, %add3A_114 : i32
      %get3A_116 = arith.index_cast %select_n3A : i32 to index
      %get3A_117 = arith.index_cast %add3A_115 : i32 to index
      %get3A_118 = tpu.vector_load %arg5[%get3A_116, %get3A_117] {strides = array<i32>} : memref<8x1024xi32, #tpu.memory_space<vmem>>, vector<16xi32>,
      %add3A_119 = arith.constant 96 : i32
      %add3A_120 = arith.addi %mul3A_89, %add3A_119 : i32
      %get3A_121 = arith.index_cast %select_n3A : i32 to index
      %get3A_122 = arith.index_cast %add3A_120 : i32 to index
      %get3A_123 = tpu.vector_load %arg5[%get3A_121, %get3A_122] {strides = array<i32>} : memref<8x1024xi32, #tpu.memory_space<vmem>>, vector<16xi32>,
      %add3A_124 = arith.constant 112 : i32
      %add3A_125 = arith.addi %mul3A_89, %add3A_124 : i32
      %get3A_126 = arith.index_cast %select_n3A : i32 to index
      %get3A_127 = arith.index_cast %add3A_125 : i32 to index
      %get3A_128 = tpu.vector_load %arg5[%get3A_126, %get3A_127] {strides = array<i32>} : memref<8x1024xi32, #tpu.memory_space<vmem>>, vector<16xi32>,
      %add3A_129 = arith.constant 128 : i32
      %add3A_130 = arith.addi %mul3A_89, %add3A_129 : i32
      %get3A_131 = arith.index_cast %select_n3A : i32 to index
      %get3A_132 = arith.index_cast %add3A_130 : i32 to index
      %get3A_133 = tpu.vector_load %arg5[%get3A_131, %get3A_132] {strides = array<i32>} : memref<8x1024xi32, #tpu.memory_space<vmem>>, vector<16xi32>,
      %add3A_134 = arith.constant 144 : i32
      %add3A_135 = arith.addi %mul3A_89, %add3A_134 : i32
      %get3A_136 = arith.index_cast %select_n3A : i32 to index
      %get3A_137 = arith.index_cast %add3A_135 : i32 to index
      %get3A_138 = tpu.vector_load %arg5[%get3A_136, %get3A_137] {strides = array<i32>} : memref<8x1024xi32, #tpu.memory_space<vmem>>, vector<16xi32>,
      %add3A_139 = arith.constant 160 : i32
      %add3A_140 = arith.addi %mul3A_89, %add3A_139 : i32
      %get3A_141 = arith.index_cast %select_n3A : i32 to index
      %get3A_142 = arith.index_cast %add3A_140 : i32 to index
      %get3A_143 = tpu.vector_load %arg5[%get3A_141, %get3A_142] {strides = array<i32>} : memref<8x1024xi32, #tpu.memory_space<vmem>>, vector<16xi32>,
      %add3A_144 = arith.constant 176 : i32
      %add3A_145 = arith.addi %mul3A_89, %add3A_144 : i32
      %get3A_146 = arith.index_cast %select_n3A : i32 to index
      %get3A_147 = arith.index_cast %add3A_145 : i32 to index
      %get3A_148 = tpu.vector_load %arg5[%get3A_146, %get3A_147] {strides = array<i32>} : memref<8x1024xi32, #tpu.memory_space<vmem>>, vector<16xi32>,
      %add3A_149 = arith.constant 192 : i32
      %add3A_150 = arith.addi %mul3A_89, %add3A_149 : i32
      %get3A_151 = arith.index_cast %select_n3A : i32 to index
      %get3A_152 = arith.index_cast %add3A_150 : i32 to index
      %get3A_153 = tpu.vector_load %arg5[%get3A_151, %get3A_152] {strides = array<i32>} : memref<8x1024xi32, #tpu.memory_space<vmem>>, vector<16xi32>,
      %add3A_154 = arith.constant 208 : i32
      %add3A_155 = arith.addi %mul3A_89, %add3A_154 : i32
      %get3A_156 = arith.index_cast %select_n3A : i32 to index
      %get3A_157 = arith.index_cast %add3A_155 : i32 to index
      %get3A_158 = tpu.vector_load %arg5[%get3A_156, %get3A_157] {strides = array<i32>} : memref<8x1024xi32, #tpu.memory_space<vmem>>, vector<16xi32>,
      %add3A_159 = arith.constant 224 : i32
      %add3A_160 = arith.addi %mul3A_89, %add3A_159 : i32
      %get3A_161 = arith.index_cast %select_n3A : i32 to index
      %get3A_162 = arith.index_cast %add3A_160 : i32 to index
      %get3A_163 = tpu.vector_load %arg5[%get3A_161, %get3A_162] {strides = array<i32>} : memref<8x1024xi32, #tpu.memory_space<vmem>>, vector<16xi32>,
      %add3A_164 = arith.constant 240 : i32
      %add3A_165 = arith.addi %mul3A_89, %add3A_164 : i32
      %get3A_166 = arith.index_cast %select_n3A : i32 to index
      %get3A_167 = arith.index_cast %add3A_165 : i32 to index
      %get3A_168 = tpu.vector_load %arg5[%get3A_166, %get3A_167] {strides = array<i32>} : memref<8x1024xi32, #tpu.memory_space<vmem>>, vector<16xi32>,
      %shift_right_arithmetic3A = arith.constant 7 : i32
      %shift_right_arithmetic3A_169 = vector.broadcast %shift_right_arithmetic3A : i32 to vector<16xi32>
      %shift_right_arithmetic3A_170 = arith.shrsi %get3A_93, %shift_right_arithmetic3A_169 : vector<16xi32>
      %and3A_171 = arith.constant 127 : i32
      %and3A_172 = vector.broadcast %and3A_171 : i32 to vector<16xi32>
      %and3A_173 = arith.andi %get3A_93, %and3A_172 : vector<16xi32>
      tpu.vector_store_idx %arg7[%shift_right_arithmetic3A_170, %and3A_173], %broadcast_in_dim3A_10 {add = true} : memref<800x128xi32, #tpu.memory_space<vmem>>[vector<16xi32>, vector<16xi32>], vector<16xi32>,
      %shift_right_arithmetic3A_174 = arith.constant 7 : i32
      %shift_right_arithmetic3A_175 = vector.broadcast %shift_right_arithmetic3A_174 : i32 to vector<16xi32>
      %shift_right_arithmetic3A_176 = arith.shrsi %get3A_98, %shift_right_arithmetic3A_175 : vector<16xi32>
      %and3A_177 = arith.constant 127 : i32
      %and3A_178 = vector.broadcast %and3A_177 : i32 to vector<16xi32>
      %and3A_179 = arith.andi %get3A_98, %and3A_178 : vector<16xi32>
      tpu.vector_store_idx %arg7[%shift_right_arithmetic3A_176, %and3A_179], %broadcast_in_dim3A_10 {add = true} : memref<800x128xi32, #tpu.memory_space<vmem>>[vector<16xi32>, vector<16xi32>], vector<16xi32>,
      %shift_right_arithmetic3A_180 = arith.constant 7 : i32
      %shift_right_arithmetic3A_181 = vector.broadcast %shift_right_arithmetic3A_180 : i32 to vector<16xi32>
      %shift_right_arithmetic3A_182 = arith.shrsi %get3A_103, %shift_right_arithmetic3A_181 : vector<16xi32>
      %and3A_183 = arith.constant 127 : i32
      %and3A_184 = vector.broadcast %and3A_183 : i32 to vector<16xi32>
      %and3A_185 = arith.andi %get3A_103, %and3A_184 : vector<16xi32>
      tpu.vector_store_idx %arg7[%shift_right_arithmetic3A_182, %and3A_185], %broadcast_in_dim3A_10 {add = true} : memref<800x128xi32, #tpu.memory_space<vmem>>[vector<16xi32>, vector<16xi32>], vector<16xi32>,
      %shift_right_arithmetic3A_186 = arith.constant 7 : i32
      %shift_right_arithmetic3A_187 = vector.broadcast %shift_right_arithmetic3A_186 : i32 to vector<16xi32>
      %shift_right_arithmetic3A_188 = arith.shrsi %get3A_108, %shift_right_arithmetic3A_187 : vector<16xi32>
      %and3A_189 = arith.constant 127 : i32
      %and3A_190 = vector.broadcast %and3A_189 : i32 to vector<16xi32>
      %and3A_191 = arith.andi %get3A_108, %and3A_190 : vector<16xi32>
      tpu.vector_store_idx %arg7[%shift_right_arithmetic3A_188, %and3A_191], %broadcast_in_dim3A_10 {add = true} : memref<800x128xi32, #tpu.memory_space<vmem>>[vector<16xi32>, vector<16xi32>], vector<16xi32>,
      %shift_right_arithmetic3A_192 = arith.constant 7 : i32
      %shift_right_arithmetic3A_193 = vector.broadcast %shift_right_arithmetic3A_192 : i32 to vector<16xi32>
      %shift_right_arithmetic3A_194 = arith.shrsi %get3A_113, %shift_right_arithmetic3A_193 : vector<16xi32>
      %and3A_195 = arith.constant 127 : i32
      %and3A_196 = vector.broadcast %and3A_195 : i32 to vector<16xi32>
      %and3A_197 = arith.andi %get3A_113, %and3A_196 : vector<16xi32>
      tpu.vector_store_idx %arg7[%shift_right_arithmetic3A_194, %and3A_197], %broadcast_in_dim3A_10 {add = true} : memref<800x128xi32, #tpu.memory_space<vmem>>[vector<16xi32>, vector<16xi32>], vector<16xi32>,
      %shift_right_arithmetic3A_198 = arith.constant 7 : i32
      %shift_right_arithmetic3A_199 = vector.broadcast %shift_right_arithmetic3A_198 : i32 to vector<16xi32>
      %shift_right_arithmetic3A_200 = arith.shrsi %get3A_118, %shift_right_arithmetic3A_199 : vector<16xi32>
      %and3A_201 = arith.constant 127 : i32
      %and3A_202 = vector.broadcast %and3A_201 : i32 to vector<16xi32>
      %and3A_203 = arith.andi %get3A_118, %and3A_202 : vector<16xi32>
      tpu.vector_store_idx %arg7[%shift_right_arithmetic3A_200, %and3A_203], %broadcast_in_dim3A_10 {add = true} : memref<800x128xi32, #tpu.memory_space<vmem>>[vector<16xi32>, vector<16xi32>], vector<16xi32>,
      %shift_right_arithmetic3A_204 = arith.constant 7 : i32
      %shift_right_arithmetic3A_205 = vector.broadcast %shift_right_arithmetic3A_204 : i32 to vector<16xi32>
      %shift_right_arithmetic3A_206 = arith.shrsi %get3A_123, %shift_right_arithmetic3A_205 : vector<16xi32>
      %and3A_207 = arith.constant 127 : i32
      %and3A_208 = vector.broadcast %and3A_207 : i32 to vector<16xi32>
      %and3A_209 = arith.andi %get3A_123, %and3A_208 : vector<16xi32>
      tpu.vector_store_idx %arg7[%shift_right_arithmetic3A_206, %and3A_209], %broadcast_in_dim3A_10 {add = true} : memref<800x128xi32, #tpu.memory_space<vmem>>[vector<16xi32>, vector<16xi32>], vector<16xi32>,
      %shift_right_arithmetic3A_210 = arith.constant 7 : i32
      %shift_right_arithmetic3A_211 = vector.broadcast %shift_right_arithmetic3A_210 : i32 to vector<16xi32>
      %shift_right_arithmetic3A_212 = arith.shrsi %get3A_128, %shift_right_arithmetic3A_211 : vector<16xi32>
      %and3A_213 = arith.constant 127 : i32
      %and3A_214 = vector.broadcast %and3A_213 : i32 to vector<16xi32>
      %and3A_215 = arith.andi %get3A_128, %and3A_214 : vector<16xi32>
      tpu.vector_store_idx %arg7[%shift_right_arithmetic3A_212, %and3A_215], %broadcast_in_dim3A_10 {add = true} : memref<800x128xi32, #tpu.memory_space<vmem>>[vector<16xi32>, vector<16xi32>], vector<16xi32>,
      %shift_right_arithmetic3A_216 = arith.constant 7 : i32
      %shift_right_arithmetic3A_217 = vector.broadcast %shift_right_arithmetic3A_216 : i32 to vector<16xi32>
      %shift_right_arithmetic3A_218 = arith.shrsi %get3A_133, %shift_right_arithmetic3A_217 : vector<16xi32>
      %and3A_219 = arith.constant 127 : i32
      %and3A_220 = vector.broadcast %and3A_219 : i32 to vector<16xi32>
      %and3A_221 = arith.andi %get3A_133, %and3A_220 : vector<16xi32>
      tpu.vector_store_idx %arg7[%shift_right_arithmetic3A_218, %and3A_221], %broadcast_in_dim3A_10 {add = true} : memref<800x128xi32, #tpu.memory_space<vmem>>[vector<16xi32>, vector<16xi32>], vector<16xi32>,
      %shift_right_arithmetic3A_222 = arith.constant 7 : i32
      %shift_right_arithmetic3A_223 = vector.broadcast %shift_right_arithmetic3A_222 : i32 to vector<16xi32>
      %shift_right_arithmetic3A_224 = arith.shrsi %get3A_138, %shift_right_arithmetic3A_223 : vector<16xi32>
      %and3A_225 = arith.constant 127 : i32
      %and3A_226 = vector.broadcast %and3A_225 : i32 to vector<16xi32>
      %and3A_227 = arith.andi %get3A_138, %and3A_226 : vector<16xi32>
      tpu.vector_store_idx %arg7[%shift_right_arithmetic3A_224, %and3A_227], %broadcast_in_dim3A_10 {add = true} : memref<800x128xi32, #tpu.memory_space<vmem>>[vector<16xi32>, vector<16xi32>], vector<16xi32>,
      %shift_right_arithmetic3A_228 = arith.constant 7 : i32
      %shift_right_arithmetic3A_229 = vector.broadcast %shift_right_arithmetic3A_228 : i32 to vector<16xi32>
      %shift_right_arithmetic3A_230 = arith.shrsi %get3A_143, %shift_right_arithmetic3A_229 : vector<16xi32>
      %and3A_231 = arith.constant 127 : i32
      %and3A_232 = vector.broadcast %and3A_231 : i32 to vector<16xi32>
      %and3A_233 = arith.andi %get3A_143, %and3A_232 : vector<16xi32>
      tpu.vector_store_idx %arg7[%shift_right_arithmetic3A_230, %and3A_233], %broadcast_in_dim3A_10 {add = true} : memref<800x128xi32, #tpu.memory_space<vmem>>[vector<16xi32>, vector<16xi32>], vector<16xi32>,
      %shift_right_arithmetic3A_234 = arith.constant 7 : i32
      %shift_right_arithmetic3A_235 = vector.broadcast %shift_right_arithmetic3A_234 : i32 to vector<16xi32>
      %shift_right_arithmetic3A_236 = arith.shrsi %get3A_148, %shift_right_arithmetic3A_235 : vector<16xi32>
      %and3A_237 = arith.constant 127 : i32
      %and3A_238 = vector.broadcast %and3A_237 : i32 to vector<16xi32>
      %and3A_239 = arith.andi %get3A_148, %and3A_238 : vector<16xi32>
      tpu.vector_store_idx %arg7[%shift_right_arithmetic3A_236, %and3A_239], %broadcast_in_dim3A_10 {add = true} : memref<800x128xi32, #tpu.memory_space<vmem>>[vector<16xi32>, vector<16xi32>], vector<16xi32>,
      %shift_right_arithmetic3A_240 = arith.constant 7 : i32
      %shift_right_arithmetic3A_241 = vector.broadcast %shift_right_arithmetic3A_240 : i32 to vector<16xi32>
      %shift_right_arithmetic3A_242 = arith.shrsi %get3A_153, %shift_right_arithmetic3A_241 : vector<16xi32>
      %and3A_243 = arith.constant 127 : i32
      %and3A_244 = vector.broadcast %and3A_243 : i32 to vector<16xi32>
      %and3A_245 = arith.andi %get3A_153, %and3A_244 : vector<16xi32>
      tpu.vector_store_idx %arg7[%shift_right_arithmetic3A_242, %and3A_245], %broadcast_in_dim3A_10 {add = true} : memref<800x128xi32, #tpu.memory_space<vmem>>[vector<16xi32>, vector<16xi32>], vector<16xi32>,
      %shift_right_arithmetic3A_246 = arith.constant 7 : i32
      %shift_right_arithmetic3A_247 = vector.broadcast %shift_right_arithmetic3A_246 : i32 to vector<16xi32>
      %shift_right_arithmetic3A_248 = arith.shrsi %get3A_158, %shift_right_arithmetic3A_247 : vector<16xi32>
      %and3A_249 = arith.constant 127 : i32
      %and3A_250 = vector.broadcast %and3A_249 : i32 to vector<16xi32>
      %and3A_251 = arith.andi %get3A_158, %and3A_250 : vector<16xi32>
      tpu.vector_store_idx %arg7[%shift_right_arithmetic3A_248, %and3A_251], %broadcast_in_dim3A_10 {add = true} : memref<800x128xi32, #tpu.memory_space<vmem>>[vector<16xi32>, vector<16xi32>], vector<16xi32>,
      %shift_right_arithmetic3A_252 = arith.constant 7 : i32
      %shift_right_arithmetic3A_253 = vector.broadcast %shift_right_arithmetic3A_252 : i32 to vector<16xi32>
      %shift_right_arithmetic3A_254 = arith.shrsi %get3A_163, %shift_right_arithmetic3A_253 : vector<16xi32>
      %and3A_255 = arith.constant 127 : i32
      %and3A_256 = vector.broadcast %and3A_255 : i32 to vector<16xi32>
      %and3A_257 = arith.andi %get3A_163, %and3A_256 : vector<16xi32>
      tpu.vector_store_idx %arg7[%shift_right_arithmetic3A_254, %and3A_257], %broadcast_in_dim3A_10 {add = true} : memref<800x128xi32, #tpu.memory_space<vmem>>[vector<16xi32>, vector<16xi32>], vector<16xi32>,
      %shift_right_arithmetic3A_258 = arith.constant 7 : i32
      %shift_right_arithmetic3A_259 = vector.broadcast %shift_right_arithmetic3A_258 : i32 to vector<16xi32>
      %shift_right_arithmetic3A_260 = arith.shrsi %get3A_168, %shift_right_arithmetic3A_259 : vector<16xi32>
      %and3A_261 = arith.constant 127 : i32
      %and3A_262 = vector.broadcast %and3A_261 : i32 to vector<16xi32>
      %and3A_263 = arith.andi %get3A_168, %and3A_262 : vector<16xi32>
      tpu.vector_store_idx %arg7[%shift_right_arithmetic3A_260, %and3A_263], %broadcast_in_dim3A_10 {add = true} : memref<800x128xi32, #tpu.memory_space<vmem>>[vector<16xi32>, vector<16xi32>], vector<16xi32>,
    }
    %scan3A_56 = arith.constant 32 : i32
    "tpu.region"() ({
      %run_scoped3A = tpu.sem_alloc : memref<!tpu.dma_semaphore, #tpu.memory_space<semaphore_mem>>
      %dma_start3A_57 = arith.constant 0 : i32
      %dma_start3A_58 = arith.constant 0 : i32
      %dma_start3A_59 = tpu.memref_slice %arg3[%add3A, %dma_start3A_57, %dma_start3A_58] : memref<32x800x128xi32, #tpu.memory_space<hbm>> -> memref<1x800x128xi32, #tpu.memory_space<hbm>>
      %dma_start3A_60 = tpu.memref_squeeze %dma_start3A_59 : memref<1x800x128xi32, #tpu.memory_space<hbm>> -> memref<800x128xi32, #tpu.memory_space<hbm>>
      %dma_start3A_61 = arith.constant 0 : i32
      %dma_start3A_62 = arith.constant 0 : i32
      %dma_start3A_63 = tpu.memref_slice %arg3[%add3A, %dma_start3A_61, %dma_start3A_62] : memref<32x800x128xi32, #tpu.memory_space<hbm>> -> memref<1x800x128xi32, #tpu.memory_space<hbm>>
      %dma_start3A_64 = tpu.memref_squeeze %dma_start3A_63 : memref<1x800x128xi32, #tpu.memory_space<hbm>> -> memref<800x128xi32, #tpu.memory_space<hbm>>
      tpu.enqueue_dma source(%arg7 : memref<800x128xi32, #tpu.memory_space<vmem>>) target(%dma_start3A_64 : memref<800x128xi32, #tpu.memory_space<hbm>>) target_semaphore(%run_scoped3A : memref<!tpu.dma_semaphore, #tpu.memory_space<semaphore_mem>>)
      %dma_wait3A_65 = arith.constant 0 : i32
      %dma_wait3A_66 = arith.constant 0 : i32
      %dma_wait3A_67 = tpu.memref_slice %arg3[%add3A, %dma_wait3A_65, %dma_wait3A_66] : memref<32x800x128xi32, #tpu.memory_space<hbm>> -> memref<1x800x128xi32, #tpu.memory_space<hbm>>
      %dma_wait3A_68 = tpu.memref_squeeze %dma_wait3A_67 : memref<1x800x128xi32, #tpu.memory_space<hbm>> -> memref<800x128xi32, #tpu.memory_space<hbm>>
      %dma_wait3A_69 = arith.constant 0 : i32
      %dma_wait3A_70 = arith.constant 0 : i32
      %dma_wait3A_71 = tpu.memref_slice %arg3[%add3A, %dma_wait3A_69, %dma_wait3A_70] : memref<32x800x128xi32, #tpu.memory_space<hbm>> -> memref<1x800x128xi32, #tpu.memory_space<hbm>>
      %dma_wait3A_72 = tpu.memref_squeeze %dma_wait3A_71 : memref<1x800x128xi32, #tpu.memory_space<hbm>> -> memref<800x128xi32, #tpu.memory_space<hbm>>
      tpu.wait_dma2 semaphore(%run_scoped3A : memref<!tpu.dma_semaphore, #tpu.memory_space<semaphore_mem>>) src(%arg7 : memref<800x128xi32, #tpu.memory_space<vmem>>) dst(%dma_wait3A_72 : memref<800x128xi32, #tpu.memory_space<hbm>>)
      tpu.yield
    }) : () -> ()
    return
  }
}

module attributes {stable_mosaic.version = 14 : i64} {
  func.func @_reduce_body(%arg0: i32, %arg1: memref<32x200x128xi32, #tpu.memory_space<vmem>>, %arg2: memref<1x200x128xf32, #tpu.memory_space<vmem>>, %arg3: memref<1x200x128xf32, #tpu.memory_space<vmem>>) attributes {dimension_semantics = [#tpu.dimension_semantics<arbitrary>], iteration_bounds = array<i64: 4>, scalar_prefetch = 0 : i64, scratch_operands = 0 : i64, tpu.core_type = #tpu.core_type<tc>, window_params = [{transform_indices = @transform_0, window_bounds = array<i64: 32, 200, 128>}, {transform_indices = @transform_1, window_bounds = array<i64: 1, 200, 128>}, {transform_indices = @transform_2, window_bounds = array<i64: 1, 200, 128>}]} {
    %get3A = arith.constant 0 : index
    %get3A_0 = arith.constant 0 : index
    %get3A_1 = arith.constant 0 : index
    %get3A_2 = vector.load %arg1[%get3A, %get3A_0, %get3A_1] : memref<32x200x128xi32, #tpu.memory_space<vmem>>, vector<32x200x128xi32>
    %reduce_sum3A = arith.constant dense<0> : vector<200x128xi32>
    %reduce_sum3A_3 = vector.multi_reduction <add>, %get3A_2, %reduce_sum3A [0] : vector<32x200x128xi32> to vector<200x128xi32>
    %convert_element_type3A = arith.sitofp %reduce_sum3A_3 : vector<200x128xi32> to vector<200x128xf32>
    %get3A_4 = arith.constant 0 : index
    %get3A_5 = arith.constant 0 : index
    %get3A_6 = arith.constant 0 : index
    %get3A_7 = vector.load %arg2[%get3A_4, %get3A_5, %get3A_6] : memref<1x200x128xf32, #tpu.memory_space<vmem>>, vector<1x200x128xf32>
    %get3A_8 = vector.shape_cast %get3A_7 : vector<1x200x128xf32> to vector<200x128xf32>
    %add3A = arith.addf %get3A_8, %convert_element_type3A : vector<200x128xf32>
    %swap3A = arith.constant 0 : index
    %swap3A_9 = arith.constant 0 : index
    %swap3A_10 = arith.constant 0 : index
    %swap3A_11 = vector.load %arg3[%swap3A, %swap3A_9, %swap3A_10] : memref<1x200x128xf32, #tpu.memory_space<vmem>>, vector<1x200x128xf32>
    %swap3A_12 = vector.shape_cast %swap3A_11 : vector<1x200x128xf32> to vector<200x128xf32>
    %swap3A_13 = vector.shape_cast %add3A : vector<200x128xf32> to vector<1x200x128xf32>
    tpu.vector_store %arg3[%swap3A, %swap3A_9, %swap3A_10], %swap3A_13 {strides = array<i32>} : memref<1x200x128xf32, #tpu.memory_space<vmem>>, vector<1x200x128xf32>,
    return
  }
  func.func @transform_0(%arg0: i32) -> (i32, i32, i32) {
    %c0_i32 = arith.constant 0 : i32
    %c0_i32_0 = arith.constant 0 : i32
    %c0_i32_1 = arith.constant 0 : i32
    return %c0_i32, %arg0, %c0_i32_0 : i32, i32, i32
  }
  func.func @transform_1(%arg0: i32) -> (i32, i32, i32) {
    %c0_i32 = arith.constant 0 : i32
    %c0_i32_0 = arith.constant 0 : i32
    %c0_i32_1 = arith.constant 0 : i32
    return %arg0, %c0_i32, %c0_i32_0 : i32, i32, i32
  }
  func.func @transform_2(%arg0: i32) -> (i32, i32, i32) {
    %c0_i32 = arith.constant 0 : i32
    %c0_i32_0 = arith.constant 0 : i32
    %c0_i32_1 = arith.constant 0 : i32
    return %arg0, %c0_i32, %c0_i32_0 : i32, i32, i32
  }
}

</mosaic_0001>

<sc_bundles>
// kernel: kernel.4.cloned.1.call-start
scs
__scs_entry_jumppad:
0x0: {  	(pc) =	sbr.rel $0x88, $3  }
0x1: {  	(tag) =	ssettag $0x0;
	lr =	simm.s32 $0x1  }
0x2: {  	[smem:$0x3F9F] =	sst lr;
	_ =	strace $0xD0000000  }
0x3: {  	_ = 	snop  }
0x4: {  	_ = 	snop  }
0x5: {  	_ = 	snop  }
0x6: {  	_ = 	snop  }
0x7: {  	_ = 	snop  }
__scs_overlays_trampoline_lowered:
0x8: {  	[smem:$0x3FAE] =	sst s0  }
0x9: {  	[smem:$0x3FAF] =	sst s1  }
0xa: {  	[smem:$0x3FB0] =	sst s2  }
0xb: {  	[smem:$0x3FB1] =	sst s3  }
0xc: {  	[smem:$0x3FB2] =	sst s4  }
0xd: {  	[smem:$0x3FB3] =	sst s5  }
0xe: {  	[smem:$0x3FB4] =	sst s6  }
0xf: {  	[smem:$0x3FB5] =	sst s7  }
0x10: {  	[smem:$0x3FB6] =	sst s8  }
0x11: {  	[smem:$0x3FB7] =	sst s9;
	s0 =	simm.s32 @!p0 $0x0  }
0x12: {  	s1 =	sld [smem:$0x3F9D];
	s0 =	simm.s32 @p0 $0x1  }
0x13: {  	[smem:$0x3FB8] =	sst s0;
	s0 =	simm.s32 @!p1 $0x0  }
0x14: {  	s2 =	sld [smem:$0x3F9C];
	s0 =	simm.s32 @p1 $0x1  }
0x15: {  	[smem:$0x3FB9] =	sst s0;
	s0 =	simm.s32 @!p2 $0x0  }
0x16: {  	s3 =	sld [smem:$0x3FDB];
	s0 =	simm.s32 @p2 $0x1  }
0x17: {  	s4 =	simm.s32 $0x1BF5;
	[smem:$0x3FBB] =	sst s0  }
0x18: {  	s0 =	sld [smem:$0x3F9E];
	_ =	swait.ge [sflag:s4], $0x0  }
0x19: {  	s7 =	sld [smem:$0x3F9F]  }
0x1a: {  	s8 =	sadd.s32 $0xFFFFE003, lr  }
0x1b: {  	s9 =	sadd.s32 $0xFFFFFEF7, lr;
	s5 =	simm.s32 $0xFFFFFFFF;
	p2 =	slt.u32 s8, $0xFFFFF086  }
0x1c: {  	p1 =	slt.u32 s9, $0xF7A;
	s5 =	simm.s32 @!p2 $0x0  }
0x1d: {  	s5 =	simm.s32 @p1 $0x1;
	p0 =	seq.s32 s7, s2  }
0x1e: {  	s7 =	smul.u32 @!p0 $0xF7A, s2;
	p2 =	seq.s32 @!p0 s5, $0x0  }
0x1f: {  	s9 =	smul.u32 $0xF7A, s1;
	s8 =	simm.s32 @!p0 $0x1BF5;
	p2 =	por !p2, p0  }
0x20: {  	[sflag:s8] =	ssyncset.s32 @!p0 $0xFFFFF086;
	s6 =	sadd.s32 @!p0 s3, s7;
	s7 =	simm.s32 @!p0 $0x108  }
0x21: {  	s3 =	sadd.s32 s3, s9;
	s6 =	sadd.s32 @!p0 $0x88, s6;
	s7 =	simm.s32 @p2 $0x1082  }
0x22: {  	[simem:s7], [sflag:s8] =	dma.local @!p0 [hbm:s6], $0xF7A  }
0x23: {  	s9 =	sor.u32 $0xD0000000, s2;
	s6 =	simm.s32 $0x108;
	_ =	swait.ge @!p0 [sflag:s8], $0x0  }
0x24: {  	s3 =	sadd.s32 $0x88, s3;
	s6 =	simm.s32 @!p1 $0x1082;
	[sflag:s4] =	ssyncset.s32 $0xFFFFF086  }
0x25: {  	[simem:s6], [sflag:s4] =	dma.local [hbm:s3], $0xF7A  }
0x26: {  	[smem:$0x3F9F] =	sst s1;
	(tag) =	ssettag s2;
	_ =	strace s9  }
0x27: {  	s1 =	sld [smem:$0x3FAF]  }
0x28: {  	s2 =	sld [smem:$0x3FB0]  }
0x29: {  	s4 =	sld [smem:$0x3FB2]  }
0x2a: {  	p0 =	seq.s32 s5, $0x0;
	s5 =	sld [smem:$0x3FB3]  }
0x2b: {  	s6 =	sld [smem:$0x3FB4]  }
0x2c: {  	s7 =	sld [smem:$0x3FB5]  }
0x2d: {  	s3 =	simm.s32 $0x108;
	s8 =	sld [smem:$0x3FB6]  }
0x2e: {  	s3 =	simm.s32 @!p0 $0x1082;
	s9 =	sld [smem:$0x3FB7]  }
0x2f: {  	lr =	sadd.s32 s0, s3;
	s0 =	sld [smem:$0x3FAE]  }
0x30: {  	s3 =	sld [smem:$0x3FB1]  }
0x31: {  	[smem:$0x3FBA] =	sst s10  }
0x32: {  	s10 =	sld [smem:$0x3FB8];
	_ =	sdelay $0x3  }
0x33: {  	p0 =	seq.s32 s10, $0x1;
	s10 =	sld [smem:$0x3FBA];
	_ =	sdelay $0x3  }
0x34: {  	[smem:$0x3FBA] =	sst s10  }
0x35: {  	s10 =	sld [smem:$0x3FB9];
	_ =	sdelay $0x3  }
0x36: {  	p1 =	seq.s32 s10, $0x1;
	s10 =	sld [smem:$0x3FBA];
	_ =	sdelay $0x3  }
0x37: {  	[smem:$0x3FBA] =	sst s10  }
0x38: {  	s10 =	sld [smem:$0x3FBB]  }
0x39: {  	_ = 	snop;
	(pc) =	sbr.ind lr, $3  }
0x3a: {  	_ = 	snop  }
0x3b: {  	_ = 	snop  }
0x3c: {  	p2 =	seq.s32 s10, $0x1;
	s10 =	sld [smem:$0x3FBA]  }
0x3d: {  	_ =	shalt  }
0x3e: {  	_ =	shalt  }
0x3f: {  	_ =	shalt  }
0x40: {  	_ =	shalt  }
0x41: {  	_ =	shalt  }
0x42: {  	_ =	shalt  }
0x43: {  	_ =	shalt  }
0x44: {  	_ =	shalt  }
0x45: {  	_ =	shalt  }
0x46: {  	_ =	shalt  }
0x47: {  	_ =	shalt  }
0x48: {  	_ =	shalt  }
0x49: {  	_ =	shalt  }
0x4a: {  	_ =	shalt  }
0x4b: {  	_ =	shalt  }
0x4c: {  	_ =	shalt  }
0x4d: {  	_ =	shalt  }
0x4e: {  	_ =	shalt  }
0x4f: {  	_ =	shalt  }
0x50: {  	_ =	shalt  }
0x51: {  	_ =	shalt  }
0x52: {  	_ =	shalt  }
0x53: {  	_ =	shalt  }
0x54: {  	_ =	shalt  }
0x55: {  	_ =	shalt  }
0x56: {  	_ =	shalt  }
0x57: {  	_ =	shalt  }
0x58: {  	_ =	shalt  }
0x59: {  	_ =	shalt  }
0x5a: {  	_ =	shalt  }
0x5b: {  	_ =	shalt  }
0x5c: {  	_ =	shalt  }
0x5d: {  	_ =	shalt  }
0x5e: {  	_ =	shalt  }
0x5f: {  	_ =	shalt  }
0x60: {  	_ =	shalt  }
0x61: {  	_ =	shalt  }
0x62: {  	_ =	shalt  }
0x63: {  	_ =	shalt  }
0x64: {  	_ =	shalt  }
0x65: {  	_ =	shalt  }
0x66: {  	_ =	shalt  }
0x67: {  	_ =	shalt  }
0x68: {  	_ =	shalt  }
0x69: {  	_ =	shalt  }
0x6a: {  	_ =	shalt  }
0x6b: {  	_ =	shalt  }
0x6c: {  	_ =	shalt  }
0x6d: {  	_ =	shalt  }
0x6e: {  	_ =	shalt  }
0x6f: {  	_ =	shalt  }
0x70: {  	_ =	shalt  }
0x71: {  	_ =	shalt  }
0x72: {  	_ =	shalt  }
0x73: {  	_ =	shalt  }
0x74: {  	_ =	shalt  }
0x75: {  	_ =	shalt  }
0x76: {  	_ =	shalt  }
0x77: {  	_ =	shalt  }
0x78: {  	_ =	shalt  }
0x79: {  	_ =	shalt  }
0x7a: {  	_ =	shalt  }
0x7b: {  	_ =	shalt  }
0x7c: {  	_ =	shalt  }
0x7d: {  	_ =	shalt  }
0x7e: {  	_ =	shalt  }
0x7f: {  	_ =	shalt  }
0x80: {  	_ =	shalt  }
0x81: {  	_ =	shalt  }
0x82: {  	_ =	shalt  }
0x83: {  	_ =	shalt  }
0x84: {  	_ =	shalt  }
0x85: {  	_ =	shalt  }
0x86: {  	_ =	shalt  }
0x87: {  	_ =	shalt  }
.Lfunc_end0:
.L_simem_size_0:
called_computation_lowered:
.L_overlay_start_0:
0x88: {  	s2 =	sld [smem:$0x3FD9]  }
0x89: {  	s3 =	sld [smem:$0x3FFE];
	_ =	sdelay $0x1  }
0x8a: {  	s1 =	srdreg.scid  }
0x8b: {  	s0 =	sand.u32 $0x1, s1  }
0x8c: {  	s17 =	sshll.u32 s0, $0xA;
	s2 =	sadd.s32 s3, s2  }
0x8d: {  	s2 =	sadd.s32 s2, s17  }
0x8e: {  	[smem:$0x3FC6] =	sst s2  }
0x8f: {  	_ = 	snop  }
0x90: {  	s2 =	sld [smem:$0x3FC9];
	(tm) =	ssettm $0x1  }
0x91: {  	s18 =	sld [smem:$0x3FFB];
	_ =	sdelay $0x3  }
0x92: {  	_ =	strace s18  }
0x93: {  	s3 =	sld [smem:$0x3FFC];
	_ =	sdelay $0x3  }
0x94: {  	_ =	strace s3  }
0x95: {  	s3 =	sld [smem:$0x3FFD];
	_ =	sdelay $0x3  }
0x96: {  	_ =	strace s3  }
0x97: {  	_ =	strace $0x8FFFFFFF  }
0x98: {  	s19 =	sld [smem:$0x3FDB];
	_ =	sdelay $0x1  }
0x99: {  	s4 =	simm.s32 $_scs_section_size  }
0x9a: {  	s5 =	simm.s32 $_size__tile_overlayer_lowered;
	s6 =	simm.s32 $_tile_overlayer_lowered  }
0x9b: {  	s22 =	simm.s32 $0x1BFF;
	s21 =	sshll.u32 s6, $0x1;
	s3 =	sadd.s32 s4, s19  }
0x9c: {  	s7 =	simm.s32 $0x0;
	s20 =	sshll.u32 s5, $0x1;
	s5 =	sadd.s32 s21, s3  }
0x9d: {  	[timem:s7], [sflag:s22] =	dma.local [hbm:s5], s20  }
0x9e: {  	_ =	swait.ge [sflag:s22], s20  }
0x9f: {  	s4 =	ssub.s32 $0x0, s20;
	[sflag:s22] =	ssyncset.done $0x0  }
0xa0: {  	[sflag:s22] =	ssyncadd.s32 s4;
	_ =	sdelay $0x1  }
0xa1: {  	s23 =	simm.s32 $0x1B8B  }
0xa2: {  	_ =	swait.ge [sflag:s23], $0x1  }
0xa3: {  	[sflag:s23] =	ssyncset.done $0x0  }
0xa4: {  	s25 =	simm.s32 $0x1B8E;
	s24 =	sld [smem:$0x3FFE];
	[sflag:s23] =	ssyncadd.s32 $0xFFFFFFFF  }
0xa5: {  	s26 =	simm.s32 $execute0_lowered;
	[smem:$0x3FD2] =	sst s25  }
0xa6: {  	s5 =	sshll.u32 s26, $0x1;
	_ =	strace $0x80000046;
	[dreg:$0x1] =	wrdreg $0xFFFFFFFF  }
0xa7: {  	s28 =	simm.s32 $_size_execute0_lowered;
	s3 =	sadd.s32 s3, s5;
	[dreg:$0x0] =	wrdreg $0x0  }
0xa8: {  	s5 =	sshll.u32 s28, $0x1;
	[dreg:$0x2] =	wrdreg s3  }
0xa9: {  	[dreg:$0x3] =	wrdreg s5  }
0xaa: {  	[dreg:$0x4] =	wrdreg $0xC0  }
0xab: {  	_ =	task [dreg:s7], $0x5FFFF  }
0xac: {  	[dreg:$0x1] =	wrdreg $0xFFFFFFFF  }
0xad: {  	[dreg:$0x0] =	wrdreg $0x60  }
0xae: {  	[dreg:$0x2] =	wrdreg s2  }
0xaf: {  	[dreg:$0x3] =	wrdreg s24  }
0xb0: {  	[dreg:$0x4] =	wrdreg $0x9  }
0xb1: {  	_ =	task.clear_ibuf [dreg:s7], $0x5FFFF;
	_ =	strace $0x90000046  }
0xb2: {  	s29 =	simm.s32 $0x9;
	_ =	strace $0x80000048  }
0xb3: {  	_ =	swait.ge [sflag:s29], $0x1  }
0xb4: {  	[sflag:s29] =	ssyncadd.s32 $0xFFFFFFFF  }
0xb5: {  	_ =	strace $0x90000048  }
0xb6: {  	_ =	sfence  }
0xb7: {  	s30 =	sld [smem:$0x0];
	_ =	sdelay $0x2  }
0xb8: {  	s31 =	sshll.u32 s1, $0xD;
	s1 =	sshrl.u32 s1, $0x2  }
0xb9: {  	s3 =	sand.u32 $0x4000, s31;
	s1 =	sadd.s32 s1, s30  }
0xba: {  	s0 =	sor.u32 s3, s0;
	s1 =	sshll.u32 s1, $0x11  }
0xbb: {  	s0 =	sor.u32 s1, s0  }
0xbc: {  	s0 =	sadd.s32 $0x8F2B, s0  }
0xbd: {  	[sflag:s0] =	ssyncadd.remote.s32 $0x1  }
0xbe: {  	_ =	sfence.sel $0xFFFF  }
0xbf: {  	[dreg:$0x0] =	wrdreg $0xFFFFFFFF;
	(pc) =	sbr.abs _section_cstart, $3  }
0xc0: {  	[dreg:$0x1] =	wrdreg $0xFFFFFFFF  }
0xc1: {  	_ =	task.clear_ibuf [dreg:s7], $0x2FFFF;
	_ =	strace $0x9FFFFFFF  }
0xc2: {  	(tm) =	ssettm $0x7FFFFFFF  }
0xc3: {  	_ =	shalt  }
tec
execute0_lowered:
.L_overlay_start_1:
0x0: {  	(tag) =	ssettag $0x1  }
0x1: {  	s2 =	rddreg [dreg:$0x0]  }
0x2: {  	s5 =	rddreg [dreg:$0x1]  }
0x3: {  	s0 =	rddreg [dreg:$0x2];
	s4 =	srdreg.scid  }
0x4: {  	s1 =	stileid.u32;
	s3 =	simm.s32 $0x0;
	s11 =	simm.s32 $0x4000  }
0x5: {  	s12 =	simm.s32 $0x1;
	s13 =	simm.s32 $0x6000;
	s14 =	simm.s32 $0x2  }
0x6: {  	s15 =	simm.s32 $0x3;
	s16 =	simm.s32 $0x4;
	s17 =	simm.s32 $0x0  }
0x7: {  	s4 =	sand.u32 $0x1, s4;
	s6 =	sshll.u32 s1, $0x1;
	[smem:$0x7FF] =	sst s3  }
0x8: {  	s7 =	sor.u32 s4, s6;
	s8 =	ssub.s32 $0x2, s4;
	_ =	strace $0x80000047  }
0x9: {  	s6 =	smul.u32 $0x3200, s7;
	s31 =	sshll.u32 s7, $0xF;
	s9 =	sshrl.u32 s8, $0x1  }
0xa: {  	s7 =	sshll.u32 s7, $0x12;
	s4 =	sadd.s32 s2, s31;
	s9 =	ssub.s32 s8, s9  }
0xb: {  	s10 =	sadd.s32 s6, s5;
	s5 =	sadd.s32 $0x400, s4;
	s6 =	sadd.s32 $0x800, s4  }
0xc: {  	v0 =	vimm.s32 $0x0;
	v1 =	vimm.s32 $0x1;
	s9 =	smax.u32 s9, $0x1;
	s8 =	sadd.s32 $0x800, s10;
	s10 =	simm.s32 $0x2000  }
.LBB2_1:
0xd: {  	s18 =	simm.s32 $0x6040  }
0xe: {  	[tilespmem:s18+$0xFFFFFFC0] =	vst v0  }
0xf: {  	[tilespmem:s18+$0x30] =	vst v0  }
0x10: {  	[tilespmem:s18+$0x20] =	vst v0  }
0x11: {  	[tilespmem:s18+$0x10] =	vst v0  }
0x12: {  	[tilespmem:s18+$0x0] =	vst v0  }
0x13: {  	[tilespmem:s18+$0xFFFFFFF0] =	vst v0  }
0x14: {  	s19 =	simm.s32 $0x0;
	[tilespmem:s18+$0xFFFFFFE0] =	vst v0  }
.LBB2_2:
0x15: {  	s19 =	sadd.s32 $0x8, s19;
	[tilespmem:s18+$0xFFFFFFD0] =	vst v0;
	s18 =	sadd.s32 $0x80, s18  }
0x16: {  	[tilespmem:s18+$0xFFFFFFC0] =	vst v0;
	p0 =	slt.u32 s19, $0x18F8  }
0x17: {  	[tilespmem:s18+$0x30] =	vst v0  }
.Ltmp0:
0x18: {  	[tilespmem:s18+$0x20] =	vst v0;
	(pc) =	sbr.rel @p0 .LBB2_2-.Ltmp0, $4  }
0x19: {  	[tilespmem:s18+$0x10] =	vst v0  }
0x1a: {  	[tilespmem:s18+$0x0] =	vst v0  }
0x1b: {  	[tilespmem:s18+$0xFFFFFFF0] =	vst v0  }
0x1c: {  	[tilespmem:s18+$0xFFFFFFE0] =	vst v0  }
0x1d: {  	[tilespmem:s18+$0xFFFFFFD0] =	vst v0;
	s18 =	simm.s32 $0x0  }
0x1e: {  	[tilespmem:s18], [sflag:$0x1] =	stream.linear.gather [hbm4b:s4+s18], $0x2000, $0x38;
	[tilespmem:$0x1F000] =	vst v63  }
0x1f: {  	_ = 	snop  }
0x20: {  	[tilespmem:s10], [sflag:$0x2] =	stream.linear.gather [hbm4b:s5+s18], $0x2000, $0x38;
	[tilespmem:$0x1F000] =	vst v63  }
0x21: {  	s19 =	simm.s32 $0x0  }
0x22: {  	[tilespmem:s11], [sflag:$0x3] =	stream.linear.gather [hbm4b:s6+s18], $0x2000, $0x38;
	[tilespmem:$0x1F000] =	vst v63  }
.LBB2_4:
0x23: {  	_ =	swait.ge [sflag:s12], $0x2000;
	s20 =	simm.s32 $0x0  }
0x24: {  	s21 =	sand.u32 $0x380, s18;
	[sflag:s12] =	ssyncset.done $0x0;
	s20 =	sand.u32 $0x1800, s20  }
0x25: {  	[sflag:s12] =	ssyncadd.s32 $0xFFFFE000;
	s20 =	sor.u32 s21, s20  }
0x26: {  	v2 =	vld [tilespmem:s20+$0x460]  }
0x27: {  	v6 =	vld [tilespmem:s20+$0x400]  }
0x28: {  	v7 =	vld [tilespmem:s20+$0x30]  }
0x29: {  	v8 =	vld [tilespmem:s20+$0x50]  }
0x2a: {  	v9 =	vld [tilespmem:s20+$0x40]  }
0x2b: {  	v10 =	vld [tilespmem:s20+$0x60]  }
0x2c: {  	v11 =	vld [tilespmem:s20+$0x20]  }
0x2d: {  	v12 =	vld [tilespmem:s20+$0x10]  }
0x2e: {  	v13 =	vld [tilespmem:s20+$0x0]  }
0x2f: {  	v14 =	vld [tilespmem:s20+$0x70]  }
0x30: {  	v15 =	vld [tilespmem:s20+$0x430]  }
0x31: {  	v5 =	vld [tilespmem:s20+$0x440]  }
0x32: {  	v4 =	vld [tilespmem:s20+$0x450]  }
0x33: {  	v16 =	vld [tilespmem:s20+$0x420]  }
0x34: {  	v17 =	vld [tilespmem:s20+$0x410]  }
0x35: {  	v3 =	vld [tilespmem:s20+$0x470]  }
0x36: {  	[tilespmem:v13+s13+$0x0] =	vst.idx.add.s32.msk $0xffff, v1  }
0x37: {  	[tilespmem:v12+s13+$0x0] =	vst.idx.add.s32.msk $0xffff, v1  }
0x38: {  	[tilespmem:v11+s13+$0x0] =	vst.idx.add.s32.msk $0xffff, v1  }
0x39: {  	[tilespmem:v7+s13+$0x0] =	vst.idx.add.s32.msk $0xffff, v1  }
0x3a: {  	[tilespmem:v9+s13+$0x0] =	vst.idx.add.s32.msk $0xffff, v1  }
0x3b: {  	[tilespmem:v8+s13+$0x0] =	vst.idx.add.s32.msk $0xffff, v1  }
0x3c: {  	[tilespmem:v10+s13+$0x0] =	vst.idx.add.s32.msk $0xffff, v1  }
0x3d: {  	[tilespmem:v14+s13+$0x0] =	vst.idx.add.s32.msk $0xffff, v1  }
0x3e: {  	[tilespmem:v6+s13+$0x0] =	vst.idx.add.s32.msk $0xffff, v1  }
0x3f: {  	[tilespmem:v17+s13+$0x0] =	vst.idx.add.s32.msk $0xffff, v1  }
0x40: {  	[tilespmem:v16+s13+$0x0] =	vst.idx.add.s32.msk $0xffff, v1  }
0x41: {  	s21 =	simm.s32 $0x2000;
	s20 =	simm.s32 $0x20;
	[tilespmem:v15+s13+$0x0] =	vst.idx.add.s32.msk $0xffff, v1  }
.LBB2_5:
0x42: {  	s22 =	sshrl.u32 s21, $0x2  }
0x43: {  	p0 =	sne.s32 s20, $0x3E0;
	[tilespmem:v5+s13+$0x0] =	vst.idx.add.s32.msk $0xffff, v1;
	s23 =	smov.u32 s20;
	s20 =	sadd.s32 $0x20, s20  }
0x44: {  	s23 =	sand.u32 $0x380, s23;
	s22 =	sand.u32 $0x1800, s22;
	[tilespmem:v4+s13+$0x0] =	vst.idx.add.s32.msk $0xffff, v1  }
0x45: {  	s22 =	sor.u32 s23, s22;
	[tilespmem:v2+s13+$0x0] =	vst.idx.add.s32.msk $0xffff, v1  }
0x46: {  	[tilespmem:v3+s13+$0x0] =	vst.idx.add.s32.msk $0xffff, v1  }
0x47: {  	v2 =	vld [tilespmem:s22+$0x460]  }
0x48: {  	v6 =	vld [tilespmem:s22+$0x400]  }
0x49: {  	v7 =	vld [tilespmem:s22+$0x30]  }
0x4a: {  	v8 =	vld [tilespmem:s22+$0x50]  }
0x4b: {  	v9 =	vld [tilespmem:s22+$0x40]  }
0x4c: {  	v10 =	vld [tilespmem:s22+$0x60]  }
0x4d: {  	v11 =	vld [tilespmem:s22+$0x20]  }
0x4e: {  	v12 =	vld [tilespmem:s22+$0x10]  }
0x4f: {  	v13 =	vld [tilespmem:s22+$0x0]  }
0x50: {  	v14 =	vld [tilespmem:s22+$0x70]  }
0x51: {  	v15 =	vld [tilespmem:s22+$0x430]  }
0x52: {  	v5 =	vld [tilespmem:s22+$0x440]  }
0x53: {  	v4 =	vld [tilespmem:s22+$0x450]  }
0x54: {  	v16 =	vld [tilespmem:s22+$0x420]  }
0x55: {  	v17 =	vld [tilespmem:s22+$0x410]  }
0x56: {  	v3 =	vld [tilespmem:s22+$0x470]  }
0x57: {  	[tilespmem:v13+s13+$0x0] =	vst.idx.add.s32.msk $0xffff, v1  }
0x58: {  	[tilespmem:v12+s13+$0x0] =	vst.idx.add.s32.msk $0xffff, v1  }
0x59: {  	[tilespmem:v11+s13+$0x0] =	vst.idx.add.s32.msk $0xffff, v1  }
0x5a: {  	[tilespmem:v7+s13+$0x0] =	vst.idx.add.s32.msk $0xffff, v1  }
0x5b: {  	[tilespmem:v9+s13+$0x0] =	vst.idx.add.s32.msk $0xffff, v1  }
0x5c: {  	[tilespmem:v8+s13+$0x0] =	vst.idx.add.s32.msk $0xffff, v1  }
0x5d: {  	[tilespmem:v10+s13+$0x0] =	vst.idx.add.s32.msk $0xffff, v1  }
.Ltmp1:
0x5e: {  	[tilespmem:v14+s13+$0x0] =	vst.idx.add.s32.msk $0xffff, v1;
	(pc) =	sbr.rel @p0 .LBB2_5-.Ltmp1, $4  }
0x5f: {  	[tilespmem:v6+s13+$0x0] =	vst.idx.add.s32.msk $0xffff, v1  }
0x60: {  	[tilespmem:v17+s13+$0x0] =	vst.idx.add.s32.msk $0xffff, v1  }
0x61: {  	[tilespmem:v16+s13+$0x0] =	vst.idx.add.s32.msk $0xffff, v1  }
0x62: {  	s21 =	sadd.s32 $0x2000, s21;
	[tilespmem:v15+s13+$0x0] =	vst.idx.add.s32.msk $0xffff, v1  }
0x63: {  	_ =	sdelay $0x1  }
0x64: {  	s20 =	smul.u32 $0xC00, s19;
	_ =	sdelay $0x1  }
0x65: {  	[tilespmem:v5+s13+$0x0] =	vst.idx.add.s32.msk $0xffff, v1;
	s21 =	sadd.s32 $0xC00, s20  }
0x66: {  	[tilespmem:v4+s13+$0x0] =	vst.idx.add.s32.msk $0xffff, v1;
	s22 =	sand.u32 $0x1F800, s21  }
0x67: {  	[tilespmem:v2+s13+$0x0] =	vst.idx.add.s32.msk $0xffff, v1;
	s21 =	sand.u32 $0x400, s21;
	s22 =	sadd.s32 s22, s4  }
0x68: {  	s30 =	simm.s32 $0x0;
	[tilespmem:v3+s13+$0x0] =	vst.idx.add.s32.msk $0xffff, v1;
	s21 =	sadd.s32 s21, s22  }
0x69: {  	[tilespmem:s30], [sflag:$0x1] =	stream.linear.gather [hbm4b:s21+s30], $0x2000, $0x38;
	[tilespmem:$0x1F000] =	vst v63  }
0x6a: {  	s31 =	simm.s32 $0x0;
	_ =	swait.ge [sflag:s14], $0x2000  }
0x6b: {  	s22 =	sand.u32 $0x380, s30;
	s21 =	sand.u32 $0x1800, s31;
	[sflag:s14] =	ssyncset.done $0x0  }
0x6c: {  	s21 =	sor.u32 s22, s21;
	[sflag:s14] =	ssyncadd.s32 $0xFFFFE000  }
0x6d: {  	v2 =	vld [tilespmem:s21+$0x2460]  }
0x6e: {  	v6 =	vld [tilespmem:s21+$0x2400]  }
0x6f: {  	v7 =	vld [tilespmem:s21+$0x2030]  }
0x70: {  	v8 =	vld [tilespmem:s21+$0x2050]  }
0x71: {  	v9 =	vld [tilespmem:s21+$0x2040]  }
0x72: {  	v10 =	vld [tilespmem:s21+$0x2060]  }
0x73: {  	v11 =	vld [tilespmem:s21+$0x2020]  }
0x74: {  	v12 =	vld [tilespmem:s21+$0x2010]  }
0x75: {  	v13 =	vld [tilespmem:s21+$0x2000]  }
0x76: {  	v14 =	vld [tilespmem:s21+$0x2070]  }
0x77: {  	v15 =	vld [tilespmem:s21+$0x2430]  }
0x78: {  	v5 =	vld [tilespmem:s21+$0x2440]  }
0x79: {  	v3 =	vld [tilespmem:s21+$0x2450]  }
0x7a: {  	v16 =	vld [tilespmem:s21+$0x2420]  }
0x7b: {  	v17 =	vld [tilespmem:s21+$0x2410]  }
0x7c: {  	v4 =	vld [tilespmem:s21+$0x2470]  }
0x7d: {  	[tilespmem:v13+s13+$0x0] =	vst.idx.add.s32.msk $0xffff, v1  }
0x7e: {  	[tilespmem:v12+s13+$0x0] =	vst.idx.add.s32.msk $0xffff, v1  }
0x7f: {  	[tilespmem:v11+s13+$0x0] =	vst.idx.add.s32.msk $0xffff, v1  }
0x80: {  	[tilespmem:v7+s13+$0x0] =	vst.idx.add.s32.msk $0xffff, v1  }
0x81: {  	[tilespmem:v9+s13+$0x0] =	vst.idx.add.s32.msk $0xffff, v1  }
0x82: {  	[tilespmem:v8+s13+$0x0] =	vst.idx.add.s32.msk $0xffff, v1  }
0x83: {  	[tilespmem:v10+s13+$0x0] =	vst.idx.add.s32.msk $0xffff, v1  }
0x84: {  	[tilespmem:v14+s13+$0x0] =	vst.idx.add.s32.msk $0xffff, v1  }
0x85: {  	[tilespmem:v6+s13+$0x0] =	vst.idx.add.s32.msk $0xffff, v1  }
0x86: {  	[tilespmem:v17+s13+$0x0] =	vst.idx.add.s32.msk $0xffff, v1  }
0x87: {  	[tilespmem:v16+s13+$0x0] =	vst.idx.add.s32.msk $0xffff, v1  }
0x88: {  	s22 =	simm.s32 $0x2000;
	s21 =	simm.s32 $0x20;
	[tilespmem:v15+s13+$0x0] =	vst.idx.add.s32.msk $0xffff, v1  }
.LBB2_7:
0x89: {  	s23 =	sshrl.u32 s22, $0x2  }
0x8a: {  	p0 =	sne.s32 s21, $0x3E0;
	[tilespmem:v5+s13+$0x0] =	vst.idx.add.s32.msk $0xffff, v1;
	s24 =	smov.u32 s21;
	s21 =	sadd.s32 $0x20, s21  }
0x8b: {  	s24 =	sand.u32 $0x380, s24;
	s23 =	sand.u32 $0x1800, s23;
	[tilespmem:v3+s13+$0x0] =	vst.idx.add.s32.msk $0xffff, v1  }
0x8c: {  	s23 =	sor.u32 s24, s23;
	[tilespmem:v2+s13+$0x0] =	vst.idx.add.s32.msk $0xffff, v1  }
0x8d: {  	[tilespmem:v4+s13+$0x0] =	vst.idx.add.s32.msk $0xffff, v1  }
0x8e: {  	v2 =	vld [tilespmem:s23+$0x2460]  }
0x8f: {  	v6 =	vld [tilespmem:s23+$0x2400]  }
0x90: {  	v7 =	vld [tilespmem:s23+$0x2030]  }
0x91: {  	v8 =	vld [tilespmem:s23+$0x2050]  }
0x92: {  	v9 =	vld [tilespmem:s23+$0x2040]  }
0x93: {  	v10 =	vld [tilespmem:s23+$0x2060]  }
0x94: {  	v11 =	vld [tilespmem:s23+$0x2020]  }
0x95: {  	v12 =	vld [tilespmem:s23+$0x2010]  }
0x96: {  	v13 =	vld [tilespmem:s23+$0x2000]  }
0x97: {  	v14 =	vld [tilespmem:s23+$0x2070]  }
0x98: {  	v15 =	vld [tilespmem:s23+$0x2430]  }
0x99: {  	v5 =	vld [tilespmem:s23+$0x2440]  }
0x9a: {  	v3 =	vld [tilespmem:s23+$0x2450]  }
0x9b: {  	v16 =	vld [tilespmem:s23+$0x2420]  }
0x9c: {  	v17 =	vld [tilespmem:s23+$0x2410]  }
0x9d: {  	v4 =	vld [tilespmem:s23+$0x2470]  }
0x9e: {  	[tilespmem:v13+s13+$0x0] =	vst.idx.add.s32.msk $0xffff, v1  }
0x9f: {  	[tilespmem:v12+s13+$0x0] =	vst.idx.add.s32.msk $0xffff, v1  }
0xa0: {  	[tilespmem:v11+s13+$0x0] =	vst.idx.add.s32.msk $0xffff, v1  }
0xa1: {  	[tilespmem:v7+s13+$0x0] =	vst.idx.add.s32.msk $0xffff, v1  }
0xa2: {  	[tilespmem:v9+s13+$0x0] =	vst.idx.add.s32.msk $0xffff, v1  }
0xa3: {  	[tilespmem:v8+s13+$0x0] =	vst.idx.add.s32.msk $0xffff, v1  }
0xa4: {  	[tilespmem:v10+s13+$0x0] =	vst.idx.add.s32.msk $0xffff, v1  }
.Ltmp2:
0xa5: {  	[tilespmem:v14+s13+$0x0] =	vst.idx.add.s32.msk $0xffff, v1;
	(pc) =	sbr.rel @p0 .LBB2_7-.Ltmp2, $4  }
0xa6: {  	[tilespmem:v6+s13+$0x0] =	vst.idx.add.s32.msk $0xffff, v1  }
0xa7: {  	[tilespmem:v17+s13+$0x0] =	vst.idx.add.s32.msk $0xffff, v1  }
0xa8: {  	[tilespmem:v16+s13+$0x0] =	vst.idx.add.s32.msk $0xffff, v1  }
0xa9: {  	s22 =	sadd.s32 $0x2000, s22;
	[tilespmem:v15+s13+$0x0] =	vst.idx.add.s32.msk $0xffff, v1  }
0xaa: {  	s21 =	smul.u32 $0x6000, s19;
	_ =	sdelay $0x1  }
0xab: {  	s21 =	sadd.s32 $0x8000, s21  }
0xac: {  	s22 =	sshll.u32 s19, $0xD;
	s21 =	sand.u32 $0xFC000, s21  }
0xad: {  	[tilespmem:v5+s13+$0x0] =	vst.idx.add.s32.msk $0xffff, v1;
	s22 =	sand.u32 $0x2000, s22;
	s21 =	sadd.s32 s7, s21  }
0xae: {  	[tilespmem:v3+s13+$0x0] =	vst.idx.add.s32.msk $0xffff, v1;
	s21 =	sor.u32 s22, s21  }
0xaf: {  	[tilespmem:v2+s13+$0x0] =	vst.idx.add.s32.msk $0xffff, v1;
	s21 =	sshrl.u32 s21, $0x3  }
0xb0: {  	s30 =	simm.s32 $0x0;
	[tilespmem:v4+s13+$0x0] =	vst.idx.add.s32.msk $0xffff, v1;
	s21 =	sadd.s32 s2, s21  }
0xb1: {  	[tilespmem:s10], [sflag:$0x2] =	stream.linear.gather [hbm4b:s21+s30], $0x2000, $0x38;
	[tilespmem:$0x1F000] =	vst v63  }
0xb2: {  	s31 =	simm.s32 $0x0;
	_ =	swait.ge [sflag:s15], $0x2000  }
0xb3: {  	s22 =	sand.u32 $0x380, s30;
	s21 =	sand.u32 $0x1800, s31;
	[sflag:s15] =	ssyncset.done $0x0  }
0xb4: {  	s21 =	sor.u32 s22, s21;
	[sflag:s15] =	ssyncadd.s32 $0xFFFFE000  }
0xb5: {  	v2 =	vld [tilespmem:s21+$0x4460]  }
0xb6: {  	v6 =	vld [tilespmem:s21+$0x4400]  }
0xb7: {  	v7 =	vld [tilespmem:s21+$0x4030]  }
0xb8: {  	v8 =	vld [tilespmem:s21+$0x4050]  }
0xb9: {  	v9 =	vld [tilespmem:s21+$0x4040]  }
0xba: {  	v10 =	vld [tilespmem:s21+$0x4060]  }
0xbb: {  	v11 =	vld [tilespmem:s21+$0x4020]  }
0xbc: {  	v12 =	vld [tilespmem:s21+$0x4010]  }
0xbd: {  	v13 =	vld [tilespmem:s21+$0x4000]  }
0xbe: {  	v14 =	vld [tilespmem:s21+$0x4070]  }
0xbf: {  	v15 =	vld [tilespmem:s21+$0x4430]  }
0xc0: {  	v5 =	vld [tilespmem:s21+$0x4440]  }
0xc1: {  	v3 =	vld [tilespmem:s21+$0x4450]  }
0xc2: {  	v16 =	vld [tilespmem:s21+$0x4420]  }
0xc3: {  	v17 =	vld [tilespmem:s21+$0x4410]  }
0xc4: {  	v4 =	vld [tilespmem:s21+$0x4470]  }
0xc5: {  	[tilespmem:v13+s13+$0x0] =	vst.idx.add.s32.msk $0xffff, v1  }
0xc6: {  	[tilespmem:v12+s13+$0x0] =	vst.idx.add.s32.msk $0xffff, v1  }
0xc7: {  	[tilespmem:v11+s13+$0x0] =	vst.idx.add.s32.msk $0xffff, v1  }
0xc8: {  	[tilespmem:v7+s13+$0x0] =	vst.idx.add.s32.msk $0xffff, v1  }
0xc9: {  	[tilespmem:v9+s13+$0x0] =	vst.idx.add.s32.msk $0xffff, v1  }
0xca: {  	[tilespmem:v8+s13+$0x0] =	vst.idx.add.s32.msk $0xffff, v1  }
0xcb: {  	[tilespmem:v10+s13+$0x0] =	vst.idx.add.s32.msk $0xffff, v1  }
0xcc: {  	[tilespmem:v14+s13+$0x0] =	vst.idx.add.s32.msk $0xffff, v1  }
0xcd: {  	[tilespmem:v6+s13+$0x0] =	vst.idx.add.s32.msk $0xffff, v1  }
0xce: {  	[tilespmem:v17+s13+$0x0] =	vst.idx.add.s32.msk $0xffff, v1  }
0xcf: {  	[tilespmem:v16+s13+$0x0] =	vst.idx.add.s32.msk $0xffff, v1  }
0xd0: {  	s22 =	simm.s32 $0x2000;
	s21 =	simm.s32 $0x20;
	[tilespmem:v15+s13+$0x0] =	vst.idx.add.s32.msk $0xffff, v1  }
.LBB2_9:
0xd1: {  	s23 =	sshrl.u32 s22, $0x2  }
0xd2: {  	p0 =	sne.s32 s21, $0x3E0;
	[tilespmem:v5+s13+$0x0] =	vst.idx.add.s32.msk $0xffff, v1;
	s24 =	smov.u32 s21;
	s21 =	sadd.s32 $0x20, s21  }
0xd3: {  	s24 =	sand.u32 $0x380, s24;
	s23 =	sand.u32 $0x1800, s23;
	[tilespmem:v3+s13+$0x0] =	vst.idx.add.s32.msk $0xffff, v1  }
0xd4: {  	s23 =	sor.u32 s24, s23;
	[tilespmem:v2+s13+$0x0] =	vst.idx.add.s32.msk $0xffff, v1  }
0xd5: {  	[tilespmem:v4+s13+$0x0] =	vst.idx.add.s32.msk $0xffff, v1  }
0xd6: {  	v2 =	vld [tilespmem:s23+$0x4460]  }
0xd7: {  	v6 =	vld [tilespmem:s23+$0x4400]  }
0xd8: {  	v7 =	vld [tilespmem:s23+$0x4030]  }
0xd9: {  	v8 =	vld [tilespmem:s23+$0x4050]  }
0xda: {  	v9 =	vld [tilespmem:s23+$0x4040]  }
0xdb: {  	v10 =	vld [tilespmem:s23+$0x4060]  }
0xdc: {  	v11 =	vld [tilespmem:s23+$0x4020]  }
0xdd: {  	v12 =	vld [tilespmem:s23+$0x4010]  }
0xde: {  	v13 =	vld [tilespmem:s23+$0x4000]  }
0xdf: {  	v14 =	vld [tilespmem:s23+$0x4070]  }
0xe0: {  	v15 =	vld [tilespmem:s23+$0x4430]  }
0xe1: {  	v5 =	vld [tilespmem:s23+$0x4440]  }
0xe2: {  	v3 =	vld [tilespmem:s23+$0x4450]  }
0xe3: {  	v16 =	vld [tilespmem:s23+$0x4420]  }
0xe4: {  	v17 =	vld [tilespmem:s23+$0x4410]  }
0xe5: {  	v4 =	vld [tilespmem:s23+$0x4470]  }
0xe6: {  	[tilespmem:v13+s13+$0x0] =	vst.idx.add.s32.msk $0xffff, v1  }
0xe7: {  	[tilespmem:v12+s13+$0x0] =	vst.idx.add.s32.msk $0xffff, v1  }
0xe8: {  	[tilespmem:v11+s13+$0x0] =	vst.idx.add.s32.msk $0xffff, v1  }
0xe9: {  	[tilespmem:v7+s13+$0x0] =	vst.idx.add.s32.msk $0xffff, v1  }
0xea: {  	[tilespmem:v9+s13+$0x0] =	vst.idx.add.s32.msk $0xffff, v1  }
0xeb: {  	[tilespmem:v8+s13+$0x0] =	vst.idx.add.s32.msk $0xffff, v1  }
0xec: {  	[tilespmem:v10+s13+$0x0] =	vst.idx.add.s32.msk $0xffff, v1  }
.Ltmp3:
0xed: {  	[tilespmem:v14+s13+$0x0] =	vst.idx.add.s32.msk $0xffff, v1;
	(pc) =	sbr.rel @p0 .LBB2_9-.Ltmp3, $4  }
0xee: {  	[tilespmem:v6+s13+$0x0] =	vst.idx.add.s32.msk $0xffff, v1  }
0xef: {  	[tilespmem:v17+s13+$0x0] =	vst.idx.add.s32.msk $0xffff, v1  }
0xf0: {  	[tilespmem:v16+s13+$0x0] =	vst.idx.add.s32.msk $0xffff, v1  }
0xf1: {  	s22 =	sadd.s32 $0x2000, s22;
	[tilespmem:v15+s13+$0x0] =	vst.idx.add.s32.msk $0xffff, v1  }
0xf2: {  	_ =	sdelay $0x1  }
0xf3: {  	p0 =	seq.s32 s19, $0x9  }
.Ltmp4:
0xf4: {  	_ = 	snop;
	(pc) =	sbr.rel @p0 .LBB2_12-.Ltmp4, $4  }
0xf5: {  	[tilespmem:v5+s13+$0x0] =	vst.idx.add.s32.msk $0xffff, v1  }
0xf6: {  	[tilespmem:v3+s13+$0x0] =	vst.idx.add.s32.msk $0xffff, v1  }
0xf7: {  	[tilespmem:v2+s13+$0x0] =	vst.idx.add.s32.msk $0xffff, v1  }
0xf8: {  	[tilespmem:v4+s13+$0x0] =	vst.idx.add.s32.msk $0xffff, v1  }
.Ltmp5:
0xf9: {  	s20 =	sadd.s32 $0x1400, s20;
	(pc) =	sbr.rel .LBB2_4-.Ltmp5, $4  }
0xfa: {  	s21 =	sand.u32 $0x1F800, s20  }
0xfb: {  	s20 =	sand.u32 $0x400, s20;
	s21 =	sadd.s32 s21, s4  }
0xfc: {  	s19 =	sadd.s32 $0x1, s19;
	s20 =	sadd.s32 s20, s21  }
0xfd: {  	[tilespmem:s11], [sflag:$0x3] =	stream.linear.gather [hbm4b:s20+s3], $0x2000, $0x38;
	[tilespmem:$0x1F000] =	vst v63  }
.LBB2_12:
0xfe: {  	_ =	swait.ge [sflag:s12], $0x2000;
	s18 =	simm.s32 $0x0;
	s19 =	simm.s32 $0x0  }
0xff: {  	[sflag:s12] =	ssyncset.done $0x0;
	s18 =	sand.u32 $0x380, s18;
	s19 =	sand.u32 $0x1800, s19  }
0x100: {  	[sflag:s12] =	ssyncadd.s32 $0xFFFFE000;
	s18 =	sor.u32 s18, s19  }
0x101: {  	v2 =	vld [tilespmem:s18+$0x460]  }
0x102: {  	v6 =	vld [tilespmem:s18+$0x400]  }
0x103: {  	v7 =	vld [tilespmem:s18+$0x30]  }
0x104: {  	v8 =	vld [tilespmem:s18+$0x50]  }
0x105: {  	v9 =	vld [tilespmem:s18+$0x40]  }
0x106: {  	v10 =	vld [tilespmem:s18+$0x60]  }
0x107: {  	v11 =	vld [tilespmem:s18+$0x20]  }
0x108: {  	v12 =	vld [tilespmem:s18+$0x10]  }
0x109: {  	v13 =	vld [tilespmem:s18+$0x0]  }
0x10a: {  	v14 =	vld [tilespmem:s18+$0x70]  }
0x10b: {  	v15 =	vld [tilespmem:s18+$0x430]  }
0x10c: {  	v5 =	vld [tilespmem:s18+$0x440]  }
0x10d: {  	v3 =	vld [tilespmem:s18+$0x450]  }
0x10e: {  	v16 =	vld [tilespmem:s18+$0x420]  }
0x10f: {  	v17 =	vld [tilespmem:s18+$0x410]  }
0x110: {  	v4 =	vld [tilespmem:s18+$0x470]  }
0x111: {  	[tilespmem:v13+s13+$0x0] =	vst.idx.add.s32.msk $0xffff, v1  }
0x112: {  	[tilespmem:v12+s13+$0x0] =	vst.idx.add.s32.msk $0xffff, v1  }
0x113: {  	[tilespmem:v11+s13+$0x0] =	vst.idx.add.s32.msk $0xffff, v1  }
0x114: {  	[tilespmem:v7+s13+$0x0] =	vst.idx.add.s32.msk $0xffff, v1  }
0x115: {  	[tilespmem:v9+s13+$0x0] =	vst.idx.add.s32.msk $0xffff, v1  }
0x116: {  	[tilespmem:v8+s13+$0x0] =	vst.idx.add.s32.msk $0xffff, v1  }
0x117: {  	[tilespmem:v10+s13+$0x0] =	vst.idx.add.s32.msk $0xffff, v1  }
0x118: {  	[tilespmem:v14+s13+$0x0] =	vst.idx.add.s32.msk $0xffff, v1  }
0x119: {  	[tilespmem:v6+s13+$0x0] =	vst.idx.add.s32.msk $0xffff, v1  }
0x11a: {  	[tilespmem:v17+s13+$0x0] =	vst.idx.add.s32.msk $0xffff, v1  }
0x11b: {  	[tilespmem:v16+s13+$0x0] =	vst.idx.add.s32.msk $0xffff, v1  }
0x11c: {  	s19 =	simm.s32 $0x2000;
	s18 =	simm.s32 $0x20;
	[tilespmem:v15+s13+$0x0] =	vst.idx.add.s32.msk $0xffff, v1  }
.LBB2_13:
0x11d: {  	s20 =	sshrl.u32 s19, $0x2  }
0x11e: {  	p0 =	sne.s32 s18, $0x3E0;
	[tilespmem:v5+s13+$0x0] =	vst.idx.add.s32.msk $0xffff, v1;
	s21 =	smov.u32 s18;
	s18 =	sadd.s32 $0x20, s18  }
0x11f: {  	s21 =	sand.u32 $0x380, s21;
	s20 =	sand.u32 $0x1800, s20;
	[tilespmem:v3+s13+$0x0] =	vst.idx.add.s32.msk $0xffff, v1  }
0x120: {  	s20 =	sor.u32 s21, s20;
	[tilespmem:v2+s13+$0x0] =	vst.idx.add.s32.msk $0xffff, v1  }
0x121: {  	[tilespmem:v4+s13+$0x0] =	vst.idx.add.s32.msk $0xffff, v1  }
0x122: {  	v2 =	vld [tilespmem:s20+$0x460]  }
0x123: {  	v6 =	vld [tilespmem:s20+$0x400]  }
0x124: {  	v7 =	vld [tilespmem:s20+$0x30]  }
0x125: {  	v8 =	vld [tilespmem:s20+$0x50]  }
0x126: {  	v9 =	vld [tilespmem:s20+$0x40]  }
0x127: {  	v10 =	vld [tilespmem:s20+$0x60]  }
0x128: {  	v11 =	vld [tilespmem:s20+$0x20]  }
0x129: {  	v12 =	vld [tilespmem:s20+$0x10]  }
0x12a: {  	v13 =	vld [tilespmem:s20+$0x0]  }
0x12b: {  	v14 =	vld [tilespmem:s20+$0x70]  }
0x12c: {  	v15 =	vld [tilespmem:s20+$0x430]  }
0x12d: {  	v5 =	vld [tilespmem:s20+$0x440]  }
0x12e: {  	v3 =	vld [tilespmem:s20+$0x450]  }
0x12f: {  	v16 =	vld [tilespmem:s20+$0x420]  }
0x130: {  	v17 =	vld [tilespmem:s20+$0x410]  }
0x131: {  	v4 =	vld [tilespmem:s20+$0x470]  }
0x132: {  	[tilespmem:v13+s13+$0x0] =	vst.idx.add.s32.msk $0xffff, v1  }
0x133: {  	[tilespmem:v12+s13+$0x0] =	vst.idx.add.s32.msk $0xffff, v1  }
0x134: {  	[tilespmem:v11+s13+$0x0] =	vst.idx.add.s32.msk $0xffff, v1  }
0x135: {  	[tilespmem:v7+s13+$0x0] =	vst.idx.add.s32.msk $0xffff, v1  }
0x136: {  	[tilespmem:v9+s13+$0x0] =	vst.idx.add.s32.msk $0xffff, v1  }
0x137: {  	[tilespmem:v8+s13+$0x0] =	vst.idx.add.s32.msk $0xffff, v1  }
0x138: {  	[tilespmem:v10+s13+$0x0] =	vst.idx.add.s32.msk $0xffff, v1  }
.Ltmp6:
0x139: {  	[tilespmem:v14+s13+$0x0] =	vst.idx.add.s32.msk $0xffff, v1;
	(pc) =	sbr.rel @p0 .LBB2_13-.Ltmp6, $4  }
0x13a: {  	[tilespmem:v6+s13+$0x0] =	vst.idx.add.s32.msk $0xffff, v1  }
0x13b: {  	[tilespmem:v17+s13+$0x0] =	vst.idx.add.s32.msk $0xffff, v1  }
0x13c: {  	[tilespmem:v16+s13+$0x0] =	vst.idx.add.s32.msk $0xffff, v1  }
0x13d: {  	s19 =	sadd.s32 $0x2000, s19;
	[tilespmem:v15+s13+$0x0] =	vst.idx.add.s32.msk $0xffff, v1  }
0x13e: {  	_ =	sdelay $0x3  }
0x13f: {  	[tilespmem:v5+s13+$0x0] =	vst.idx.add.s32.msk $0xffff, v1  }
0x140: {  	[tilespmem:v3+s13+$0x0] =	vst.idx.add.s32.msk $0xffff, v1  }
0x141: {  	[tilespmem:v2+s13+$0x0] =	vst.idx.add.s32.msk $0xffff, v1  }
0x142: {  	[tilespmem:v4+s13+$0x0] =	vst.idx.add.s32.msk $0xffff, v1  }
0x143: {  	s18 =	simm.s32 $0x0;
	s19 =	simm.s32 $0x0;
	_ =	swait.ge [sflag:s14], $0x2000  }
0x144: {  	s18 =	sand.u32 $0x380, s18;
	s19 =	sand.u32 $0x1800, s19;
	[sflag:s14] =	ssyncset.done $0x0  }
0x145: {  	s18 =	sor.u32 s18, s19;
	[sflag:s14] =	ssyncadd.s32 $0xFFFFE000  }
0x146: {  	v2 =	vld [tilespmem:s18+$0x2460]  }
0x147: {  	v6 =	vld [tilespmem:s18+$0x2400]  }
0x148: {  	v7 =	vld [tilespmem:s18+$0x2030]  }
0x149: {  	v8 =	vld [tilespmem:s18+$0x2050]  }
0x14a: {  	v9 =	vld [tilespmem:s18+$0x2040]  }
0x14b: {  	v10 =	vld [tilespmem:s18+$0x2060]  }
0x14c: {  	v11 =	vld [tilespmem:s18+$0x2020]  }
0x14d: {  	v12 =	vld [tilespmem:s18+$0x2010]  }
0x14e: {  	v13 =	vld [tilespmem:s18+$0x2000]  }
0x14f: {  	v14 =	vld [tilespmem:s18+$0x2070]  }
0x150: {  	v15 =	vld [tilespmem:s18+$0x2430]  }
0x151: {  	v5 =	vld [tilespmem:s18+$0x2440]  }
0x152: {  	v3 =	vld [tilespmem:s18+$0x2450]  }
0x153: {  	v16 =	vld [tilespmem:s18+$0x2420]  }
0x154: {  	v17 =	vld [tilespmem:s18+$0x2410]  }
0x155: {  	v4 =	vld [tilespmem:s18+$0x2470]  }
0x156: {  	[tilespmem:v13+s13+$0x0] =	vst.idx.add.s32.msk $0xffff, v1  }
0x157: {  	[tilespmem:v12+s13+$0x0] =	vst.idx.add.s32.msk $0xffff, v1  }
0x158: {  	[tilespmem:v11+s13+$0x0] =	vst.idx.add.s32.msk $0xffff, v1  }
0x159: {  	[tilespmem:v7+s13+$0x0] =	vst.idx.add.s32.msk $0xffff, v1  }
0x15a: {  	[tilespmem:v9+s13+$0x0] =	vst.idx.add.s32.msk $0xffff, v1  }
0x15b: {  	[tilespmem:v8+s13+$0x0] =	vst.idx.add.s32.msk $0xffff, v1  }
0x15c: {  	[tilespmem:v10+s13+$0x0] =	vst.idx.add.s32.msk $0xffff, v1  }
0x15d: {  	[tilespmem:v14+s13+$0x0] =	vst.idx.add.s32.msk $0xffff, v1  }
0x15e: {  	[tilespmem:v6+s13+$0x0] =	vst.idx.add.s32.msk $0xffff, v1  }
0x15f: {  	[tilespmem:v17+s13+$0x0] =	vst.idx.add.s32.msk $0xffff, v1  }
0x160: {  	[tilespmem:v16+s13+$0x0] =	vst.idx.add.s32.msk $0xffff, v1  }
0x161: {  	s19 =	simm.s32 $0x2000;
	s18 =	simm.s32 $0x20;
	[tilespmem:v15+s13+$0x0] =	vst.idx.add.s32.msk $0xffff, v1  }
.LBB2_15:
0x162: {  	s20 =	sshrl.u32 s19, $0x2  }
0x163: {  	p0 =	sne.s32 s18, $0x3E0;
	[tilespmem:v5+s13+$0x0] =	vst.idx.add.s32.msk $0xffff, v1;
	s21 =	smov.u32 s18;
	s18 =	sadd.s32 $0x20, s18  }
0x164: {  	s21 =	sand.u32 $0x380, s21;
	s20 =	sand.u32 $0x1800, s20;
	[tilespmem:v3+s13+$0x0] =	vst.idx.add.s32.msk $0xffff, v1  }
0x165: {  	s20 =	sor.u32 s21, s20;
	[tilespmem:v2+s13+$0x0] =	vst.idx.add.s32.msk $0xffff, v1  }
0x166: {  	[tilespmem:v4+s13+$0x0] =	vst.idx.add.s32.msk $0xffff, v1  }
0x167: {  	v2 =	vld [tilespmem:s20+$0x2460]  }
0x168: {  	v6 =	vld [tilespmem:s20+$0x2400]  }
0x169: {  	v7 =	vld [tilespmem:s20+$0x2030]  }
0x16a: {  	v8 =	vld [tilespmem:s20+$0x2050]  }
0x16b: {  	v9 =	vld [tilespmem:s20+$0x2040]  }
0x16c: {  	v10 =	vld [tilespmem:s20+$0x2060]  }
0x16d: {  	v11 =	vld [tilespmem:s20+$0x2020]  }
0x16e: {  	v12 =	vld [tilespmem:s20+$0x2010]  }
0x16f: {  	v13 =	vld [tilespmem:s20+$0x2000]  }
0x170: {  	v14 =	vld [tilespmem:s20+$0x2070]  }
0x171: {  	v15 =	vld [tilespmem:s20+$0x2430]  }
0x172: {  	v5 =	vld [tilespmem:s20+$0x2440]  }
0x173: {  	v3 =	vld [tilespmem:s20+$0x2450]  }
0x174: {  	v16 =	vld [tilespmem:s20+$0x2420]  }
0x175: {  	v17 =	vld [tilespmem:s20+$0x2410]  }
0x176: {  	v4 =	vld [tilespmem:s20+$0x2470]  }
0x177: {  	[tilespmem:v13+s13+$0x0] =	vst.idx.add.s32.msk $0xffff, v1  }
0x178: {  	[tilespmem:v12+s13+$0x0] =	vst.idx.add.s32.msk $0xffff, v1  }
0x179: {  	[tilespmem:v11+s13+$0x0] =	vst.idx.add.s32.msk $0xffff, v1  }
0x17a: {  	[tilespmem:v7+s13+$0x0] =	vst.idx.add.s32.msk $0xffff, v1  }
0x17b: {  	[tilespmem:v9+s13+$0x0] =	vst.idx.add.s32.msk $0xffff, v1  }
0x17c: {  	[tilespmem:v8+s13+$0x0] =	vst.idx.add.s32.msk $0xffff, v1  }
0x17d: {  	[tilespmem:v10+s13+$0x0] =	vst.idx.add.s32.msk $0xffff, v1  }
.Ltmp7:
0x17e: {  	[tilespmem:v14+s13+$0x0] =	vst.idx.add.s32.msk $0xffff, v1;
	(pc) =	sbr.rel @p0 .LBB2_15-.Ltmp7, $4  }
0x17f: {  	[tilespmem:v6+s13+$0x0] =	vst.idx.add.s32.msk $0xffff, v1  }
0x180: {  	[tilespmem:v17+s13+$0x0] =	vst.idx.add.s32.msk $0xffff, v1  }
0x181: {  	[tilespmem:v16+s13+$0x0] =	vst.idx.add.s32.msk $0xffff, v1  }
0x182: {  	s19 =	sadd.s32 $0x2000, s19;
	[tilespmem:v15+s13+$0x0] =	vst.idx.add.s32.msk $0xffff, v1  }
0x183: {  	_ =	sdelay $0x3  }
0x184: {  	[tilespmem:v5+s13+$0x0] =	vst.idx.add.s32.msk $0xffff, v1  }
0x185: {  	s17 =	sadd.s32 $0x1, s17;
	[tilespmem:v3+s13+$0x0] =	vst.idx.add.s32.msk $0xffff, v1  }
0x186: {  	p0 =	sne.s32 s17, s9;
	[tilespmem:v2+s13+$0x0] =	vst.idx.add.s32.msk $0xffff, v1  }
.Ltmp8:
0x187: {  	[tilespmem:v4+s13+$0x0] =	vst.idx.add.s32.msk $0xffff, v1;
	(pc) =	sbr.rel @p0 .LBB2_1-.Ltmp8, $4  }
0x188: {  	[hbm4b:s8+s3] =	stream.linear.scatter [tilespmem:s13], [sflag:$0x4], $0x19000, $0x38;
	[tilespmem:$0x1F000] =	vst v63  }
0x189: {  	_ =	swait.ge [sflag:s16], $0x19000  }
0x18a: {  	[sflag:s16] =	ssyncset.done $0x0  }
0x18b: {  	[sflag:s16] =	ssyncadd.s32 $0xFFFE7000  }
0x18c: {  	_ =	sfence.sel $0x180000  }
0x18d: {  	[bflag:$0x0] =	sbarrier.arrive $0xFFFF  }
0x18e: {  	p0 =	sne.s32 s1, $0x0;
	_ =	strace $0x90000047  }
0x18f: {  	s0 =	sadd.s32 @!p0 $0x100000, s0;
	[bflag:$0x2] =	sbarrier.arrive $0xFFFF  }
0x190: {  	[sflag:s0] =	ssyncadd.tile.s32 @!p0 $0x1;
	_ =	shalt  }
.Lfunc_end2:
_tile_overlayer_lowered:
.L_overlay_start_2:
0x191: {  	(tag) =	ssettag $0x2  }
0x192: {  	s0 =	rddreg [dreg:$0x0];
	s2 =	stileid.u32  }
0x193: {  	s1 =	rddreg [dreg:$0x1];
	p0 =	sne.s32 s2, $0x0  }
0x194: {  	s3 =	rddreg [dreg:$0x2];
	[bflag:$0x3] =	sbarrier.arrive $0xFFFF;
	s2 =	simm.s32 @!p0 $0x1C04  }
0x195: {  	[timem:s3], [sflag:s2] =	dma.local @!p0 [hbm:s0], s1  }
0x196: {  	s0 =	simm.s32 @!p0 $0x4  }
0x197: {  	_ =	swait.ge @!p0 [sflag:s0], s1  }
0x198: {  	s1 =	ssub.s32 @!p0 $0x0, s1;
	[sflag:s0] =	ssyncset.done @!p0 $0x0  }
0x199: {  	[sflag:s0] =	ssyncadd.s32 @!p0 s1  }
0x19a: {  	[bflag:$0x3] =	sbarrier.arrive $0xFFFF  }
0x19b: {  	_ =	shalt  }

</sc_bundles>
